<compile_context>
chip_gen: v7x
topology: tpu7x:2x2x1
jax: 0.10.2.dev20260603
libtpu: 0.0.44.dev20260713+nightly
codegen_flags: <defaults>
</compile_context>

<pallas_src>
import jax
import jax.numpy as jnp
from jax.experimental import pallas as pl
from jax.experimental.pallas import tpu as pltpu
from jax.experimental.pallas import tpu_sc as plsc

IN_DIM = 128
OUT_DIM = 256
MEM_LEN = 100000
BETA = 2000.0

BLK = 5000
NBLK = MEM_LEN // BLK

SC_CORES = 2
SC_SUBCORES = 16
SC_WORKERS = SC_CORES * SC_SUBCORES
SC_BASE_ROWS = 3120
SC_SIZES = [400] * 7 + [320]
SC_OFFS = [sum(SC_SIZES[:k]) for k in range(len(SC_SIZES))]
SC_TAIL_START = SC_BASE_ROWS * SC_WORKERS
SC_TAIL_WORKERS = (MEM_LEN - SC_TAIL_START) // 8


def _tc_body(pos_ref, x_ref, mean_ref, std_ref, w_ref, b_ref, mem_ref,
             loss_ref, out_mem_ref, enc_ref, min_ref):
    i = pl.program_id(0)

    @pl.when(i == 0)
    def _encode():
        xv = x_ref[...]
        std = std_ref[...]
        new = jnp.where(std == 0.0, 0.0, (xv - mean_ref[...]) / std)
        logits = jnp.dot(new, w_ref[...],
                         preferred_element_type=jnp.float32) + b_ref[...]
        m = jnp.max(logits)
        lse = jnp.log(jnp.sum(jnp.exp(logits - m))) + m
        enc_ref[...] = logits - lse
        min_ref[0] = jnp.inf

    @pl.when(i < NBLK)
    def _stream():
        blk = mem_ref[...]
        out_mem_ref[...] = blk
        d = jnp.sum(jnp.abs(blk - enc_ref[...]), axis=1)
        min_ref[0] = jnp.minimum(min_ref[0], jnp.min(d))

    @pl.when(i == NBLK)
    def _fixup():
        loss = min_ref[0]
        loss_ref[...] = jnp.full((1, 1), loss, jnp.float32)
        do_update = loss <= BETA
        r = pos_ref[0] % BLK
        row_sel = jax.lax.broadcasted_iota(jnp.int32, (BLK, 1), 0) == r
        sel = jnp.logical_and(do_update, row_sel)
        out_mem_ref[...] = jnp.where(sel, enc_ref[...], mem_ref[...])


def _tc_pass(pos, x, mean2, std2, W_enc, b2, memory):
    def big_map(i, p):
        return (jnp.where(i < NBLK, i, p[0] // BLK), 0)

    def const_map(i, p):
        return (0, 0)

    grid_spec = pltpu.PrefetchScalarGridSpec(
        num_scalar_prefetch=1,
        grid=(NBLK + 1,),
        in_specs=[
            pl.BlockSpec((1, IN_DIM), const_map),
            pl.BlockSpec((1, IN_DIM), const_map),
            pl.BlockSpec((1, IN_DIM), const_map),
            pl.BlockSpec((IN_DIM, OUT_DIM), const_map),
            pl.BlockSpec((1, OUT_DIM), const_map),
            pl.BlockSpec((BLK, OUT_DIM), big_map),
        ],
        out_specs=[
            pl.BlockSpec((1, 1), const_map),
            pl.BlockSpec((BLK, OUT_DIM), big_map),
        ],
        scratch_shapes=[
            pltpu.VMEM((1, OUT_DIM), jnp.float32),
            pltpu.SMEM((1,), jnp.float32),
        ],
    )

    return pl.pallas_call(
        _tc_body,
        grid_spec=grid_spec,
        out_shape=[
            jax.ShapeDtypeStruct((1, 1), jnp.float32),
            jax.ShapeDtypeStruct((MEM_LEN, OUT_DIM), jnp.float32),
        ],
        compiler_params=pltpu.CompilerParams(
            dimension_semantics=("arbitrary",),
        ),
    )(pos, x, mean2, std2, W_enc, b2, memory)


def _sc_copy(mem_data):
    mesh = plsc.VectorSubcoreMesh(core_axis_name="c", subcore_axis_name="s")

    @pl.kernel(
        out_type=jax.ShapeDtypeStruct((MEM_LEN, IN_DIM), jnp.float32),
        mesh=mesh,
        scratch_types=[
            pltpu.VMEM((SC_SIZES[0], IN_DIM), jnp.float32),
            pltpu.VMEM((SC_SIZES[0], IN_DIM), jnp.float32),
            pltpu.SemaphoreType.DMA,
            pltpu.SemaphoreType.DMA,
            pltpu.SemaphoreType.DMA,
            pltpu.SemaphoreType.DMA,
        ],
    )
    def sc_kernel(md_hbm, o_hbm, buf0, buf1, sin0, sin1, sout0, sout1):
        core = jax.lax.axis_index("c")
        sub = jax.lax.axis_index("s")
        w = core * SC_SUBCORES + sub
        base = w * SC_BASE_ROWS
        bufs, sins, souts = [buf0, buf1], [sin0, sin1], [sout0, sout1]
        nch = len(SC_SIZES)

        def bslice(b, sz):
            return bufs[b] if sz == SC_SIZES[0] else bufs[b].at[pl.ds(0, sz), :]

        in_c = [None, None]
        out_c = [None, None]
        in_c[0] = pltpu.async_copy(
            md_hbm.at[pl.ds(base + SC_OFFS[0], SC_SIZES[0]), :],
            bslice(0, SC_SIZES[0]), sin0)
        for k in range(nch):
            b, nb = k & 1, 1 - (k & 1)
            if k + 1 < nch:
                if out_c[nb] is not None:
                    out_c[nb].wait()
                in_c[nb] = pltpu.async_copy(
                    md_hbm.at[pl.ds(base + SC_OFFS[k + 1], SC_SIZES[k + 1]), :],
                    bslice(nb, SC_SIZES[k + 1]), sins[nb])
            in_c[b].wait()
            out_c[b] = pltpu.async_copy(
                bslice(b, SC_SIZES[k]),
                o_hbm.at[pl.ds(base + SC_OFFS[k], SC_SIZES[k]), :], souts[b])
        out_c[0].wait()
        out_c[1].wait()

        @pl.when(w < SC_TAIL_WORKERS)
        def _tail():
            s = SC_TAIL_START + w * 8
            pltpu.sync_copy(md_hbm.at[pl.ds(s, 8), :], buf0.at[pl.ds(0, 8), :])
            pltpu.sync_copy(buf0.at[pl.ds(0, 8), :], o_hbm.at[pl.ds(s, 8), :])

    return sc_kernel(mem_data)


def _md_fixup_body(md_any, loss_ref, x_ref, pos_ref, out_any, row_vmem, sem):
    @pl.when(loss_ref[0] <= BETA)
    def _():
        row_vmem[...] = x_ref[...]
        pltpu.async_copy(
            row_vmem, out_any.at[pl.ds(pos_ref[0], 1), :], sem,
        ).wait()


def _md_fixup(md_copied, loss2d, x, pos):
    return pl.pallas_call(
        _md_fixup_body,
        grid=(),
        in_specs=[
            pl.BlockSpec(memory_space=pltpu.MemorySpace.HBM),
            pl.BlockSpec(memory_space=pltpu.SMEM),
            pl.BlockSpec(memory_space=pltpu.VMEM),
            pl.BlockSpec(memory_space=pltpu.SMEM),
        ],
        out_specs=pl.BlockSpec(memory_space=pltpu.MemorySpace.HBM),
        out_shape=jax.ShapeDtypeStruct((MEM_LEN, IN_DIM), jnp.float32),
        scratch_shapes=[
            pltpu.VMEM((1, IN_DIM), jnp.float32),
            pltpu.SemaphoreType.DMA,
        ],
        input_output_aliases={0: 0},
    )(md_copied, loss2d.reshape(1), x, pos)


def kernel(x, mean, std, W_enc, b_enc, memory, mem_data, count):
    pos = jnp.asarray(count % MEM_LEN, jnp.int32).reshape(1)
    mean2 = mean.reshape(1, IN_DIM)
    std2 = std.reshape(1, IN_DIM)
    b2 = b_enc.reshape(1, OUT_DIM)

    md_copied = _sc_copy(mem_data)
    loss2d, new_memory = _tc_pass(pos, x, mean2, std2, W_enc, b2, memory)
    new_mem_data = _md_fixup(md_copied, loss2d, x, pos)

    return loss2d.reshape(()), new_memory, new_mem_data

# --- scband reference (transcript-rebuilt; emitter-appended) ---
"""Pipeline reference for scband-mem-stream-75874892251518 (READ-ONLY COPY).

The authoritative reference and input builder live on the scoring server;
editing this copy changes nothing except your own understanding.
"""

import jax, jax.numpy as jnp
import numpy as np

IN_DIM = 128
OUT_DIM = 256
MEM_LEN = 100000
BETA = 2000.0


def setup_inputs(seed: int = 0) -> dict:
    key = jax.random.key(seed)
    ks = jax.random.split(key, 8)
    x = jax.random.normal(ks[0], (1, IN_DIM), dtype=jnp.float32)
    mean = jax.random.normal(ks[1], (IN_DIM,), dtype=jnp.float32)
    std = jax.random.uniform(ks[2], (IN_DIM,), dtype=jnp.float32)
    W_enc = jax.random.normal(ks[3], (IN_DIM, OUT_DIM), dtype=jnp.float32)
    b_enc = jax.random.normal(ks[4], (OUT_DIM,), dtype=jnp.float32)
    memory = jax.random.normal(ks[5], (MEM_LEN, OUT_DIM), dtype=jnp.float32)
    mem_data = jax.random.normal(ks[6], (MEM_LEN, IN_DIM), dtype=jnp.float32)
    count = 7
    return {"x": x, "mean": mean, "std": std, "W_enc": W_enc, "b_enc": b_enc,
            "memory": memory, "mem_data": mem_data, "count": count}


def reference(x, mean, std, W_enc, b_enc, memory, mem_data, count):
    # normalize: new = (x - mean) / std, zero where std == 0
    new = (x - mean) / std
    new = jnp.where(std == 0, jnp.zeros_like(x), new)
    # encoder: Dense(out_dim, activation='log_softmax')
    encoder_output = jax.nn.log_softmax(new @ W_enc + b_enc, axis=-1)
    # L1 distance from each memory slot to the encoded query; take the min
    dists = jnp.sum(jnp.abs(memory - encoder_output), axis=1)  # [MEM_LEN]
    loss_values = jnp.min(dists)
    # update_memory: scatter-overwrite at least_used_pos = count % memory_len
    pos = count % MEM_LEN
    do_update = loss_values <= BETA
    new_memory = jnp.where(do_update, memory.at[pos].set(encoder_output[0]), memory)
    new_mem_data = jnp.where(do_update, mem_data.at[pos].set(x[0]), mem_data)
    return loss_values, new_memory, new_mem_data

if __name__ == "__main__":
    import jax
    _d = setup_inputs()
    print(jax.jit(kernel)(*tuple(_d.values())))

</pallas_src>

<mosaic_0001>
#map = affine_map<(d0, d1) -> (0, 0)>
module attributes {stable_mosaic.version = 14 : i64} {
  func.func @sc_kernel(%arg0: i32, %arg1: i32, %arg2: memref<100000x128xf32, #tpu.memory_space<hbm>>, %arg3: memref<100000x128xf32, #tpu.memory_space<hbm>>, %arg4: memref<400x128xf32, #tpu.memory_space<vmem>>, %arg5: memref<400x128xf32, #tpu.memory_space<vmem>>, %arg6: memref<!tpu.dma_semaphore, #tpu.memory_space<semaphore_mem>>, %arg7: memref<!tpu.dma_semaphore, #tpu.memory_space<semaphore_mem>>, %arg8: memref<!tpu.dma_semaphore, #tpu.memory_space<semaphore_mem>>, %arg9: memref<!tpu.dma_semaphore, #tpu.memory_space<semaphore_mem>>) attributes {dimension_semantics = [#tpu.dimension_semantics<core_parallel>, #tpu.dimension_semantics<subcore_parallel>], iteration_bounds = array<i64: 2, 16>, scalar_prefetch = 0 : i64, scratch_operands = 6 : i64, tpu.core_type = #tpu.core_type<sc_vector_subcore>, window_params = [{transform_indices = #map}, {transform_indices = #map}]} {
    %mul3A = arith.constant 16 : i32
    %mul3A_0 = arith.muli %arg0, %mul3A : i32
    %add3A = arith.addi %mul3A_0, %arg1 : i32
    %mul3A_1 = arith.constant 3120 : i32
    %mul3A_2 = arith.muli %add3A, %mul3A_1 : i32
    %add3A_3 = arith.constant 0 : i32
    %add3A_4 = arith.addi %mul3A_2, %add3A_3 : i32
    %dma_start3A = arith.constant 0 : i32
    %dma_start3A_5 = tpu.memref_slice %arg2[%add3A_4, %dma_start3A] : memref<100000x128xf32, #tpu.memory_space<hbm>> -> memref<400x128xf32, #tpu.memory_space<hbm>>
    %dma_start3A_6 = arith.constant 0 : i32
    %dma_start3A_7 = tpu.memref_slice %arg2[%add3A_4, %dma_start3A_6] : memref<100000x128xf32, #tpu.memory_space<hbm>> -> memref<400x128xf32, #tpu.memory_space<hbm>>
    tpu.enqueue_dma source(%dma_start3A_7 : memref<400x128xf32, #tpu.memory_space<hbm>>) target(%arg4 : memref<400x128xf32, #tpu.memory_space<vmem>>) target_semaphore(%arg6 : memref<!tpu.dma_semaphore, #tpu.memory_space<semaphore_mem>>)
    %add3A_8 = arith.constant 400 : i32
    %add3A_9 = arith.addi %mul3A_2, %add3A_8 : i32
    %dma_start3A_10 = arith.constant 0 : i32
    %dma_start3A_11 = tpu.memref_slice %arg2[%add3A_9, %dma_start3A_10] : memref<100000x128xf32, #tpu.memory_space<hbm>> -> memref<400x128xf32, #tpu.memory_space<hbm>>
    %dma_start3A_12 = arith.constant 0 : i32
    %dma_start3A_13 = tpu.memref_slice %arg2[%add3A_9, %dma_start3A_12] : memref<100000x128xf32, #tpu.memory_space<hbm>> -> memref<400x128xf32, #tpu.memory_space<hbm>>
    tpu.enqueue_dma source(%dma_start3A_13 : memref<400x128xf32, #tpu.memory_space<hbm>>) target(%arg5 : memref<400x128xf32, #tpu.memory_space<vmem>>) target_semaphore(%arg7 : memref<!tpu.dma_semaphore, #tpu.memory_space<semaphore_mem>>)
    %dma_wait3A = arith.constant 0 : i32
    %dma_wait3A_14 = tpu.memref_slice %arg2[%add3A_4, %dma_wait3A] : memref<100000x128xf32, #tpu.memory_space<hbm>> -> memref<400x128xf32, #tpu.memory_space<hbm>>
    %dma_wait3A_15 = arith.constant 0 : i32
    %dma_wait3A_16 = tpu.memref_slice %arg2[%add3A_4, %dma_wait3A_15] : memref<100000x128xf32, #tpu.memory_space<hbm>> -> memref<400x128xf32, #tpu.memory_space<hbm>>
    tpu.wait_dma2 semaphore(%arg6 : memref<!tpu.dma_semaphore, #tpu.memory_space<semaphore_mem>>) src(%dma_wait3A_16 : memref<400x128xf32, #tpu.memory_space<hbm>>) dst(%arg4 : memref<400x128xf32, #tpu.memory_space<vmem>>)
    %add3A_17 = arith.constant 0 : i32
    %add3A_18 = arith.addi %mul3A_2, %add3A_17 : i32
    %dma_start3A_19 = arith.constant 0 : i32
    %dma_start3A_20 = tpu.memref_slice %arg3[%add3A_18, %dma_start3A_19] : memref<100000x128xf32, #tpu.memory_space<hbm>> -> memref<400x128xf32, #tpu.memory_space<hbm>>
    %dma_start3A_21 = arith.constant 0 : i32
    %dma_start3A_22 = tpu.memref_slice %arg3[%add3A_18, %dma_start3A_21] : memref<100000x128xf32, #tpu.memory_space<hbm>> -> memref<400x128xf32, #tpu.memory_space<hbm>>
    tpu.enqueue_dma source(%arg4 : memref<400x128xf32, #tpu.memory_space<vmem>>) target(%dma_start3A_22 : memref<400x128xf32, #tpu.memory_space<hbm>>) target_semaphore(%arg8 : memref<!tpu.dma_semaphore, #tpu.memory_space<semaphore_mem>>)
    %dma_wait3A_23 = arith.constant 0 : i32
    %dma_wait3A_24 = tpu.memref_slice %arg3[%add3A_18, %dma_wait3A_23] : memref<100000x128xf32, #tpu.memory_space<hbm>> -> memref<400x128xf32, #tpu.memory_space<hbm>>
    %dma_wait3A_25 = arith.constant 0 : i32
    %dma_wait3A_26 = tpu.memref_slice %arg3[%add3A_18, %dma_wait3A_25] : memref<100000x128xf32, #tpu.memory_space<hbm>> -> memref<400x128xf32, #tpu.memory_space<hbm>>
    tpu.wait_dma2 semaphore(%arg8 : memref<!tpu.dma_semaphore, #tpu.memory_space<semaphore_mem>>) src(%arg4 : memref<400x128xf32, #tpu.memory_space<vmem>>) dst(%dma_wait3A_26 : memref<400x128xf32, #tpu.memory_space<hbm>>)
    %add3A_27 = arith.constant 800 : i32
    %add3A_28 = arith.addi %mul3A_2, %add3A_27 : i32
    %dma_start3A_29 = arith.constant 0 : i32
    %dma_start3A_30 = tpu.memref_slice %arg2[%add3A_28, %dma_start3A_29] : memref<100000x128xf32, #tpu.memory_space<hbm>> -> memref<400x128xf32, #tpu.memory_space<hbm>>
    %dma_start3A_31 = arith.constant 0 : i32
    %dma_start3A_32 = tpu.memref_slice %arg2[%add3A_28, %dma_start3A_31] : memref<100000x128xf32, #tpu.memory_space<hbm>> -> memref<400x128xf32, #tpu.memory_space<hbm>>
    tpu.enqueue_dma source(%dma_start3A_32 : memref<400x128xf32, #tpu.memory_space<hbm>>) target(%arg4 : memref<400x128xf32, #tpu.memory_space<vmem>>) target_semaphore(%arg6 : memref<!tpu.dma_semaphore, #tpu.memory_space<semaphore_mem>>)
    %dma_wait3A_33 = arith.constant 0 : i32
    %dma_wait3A_34 = tpu.memref_slice %arg2[%add3A_9, %dma_wait3A_33] : memref<100000x128xf32, #tpu.memory_space<hbm>> -> memref<400x128xf32, #tpu.memory_space<hbm>>
    %dma_wait3A_35 = arith.constant 0 : i32
    %dma_wait3A_36 = tpu.memref_slice %arg2[%add3A_9, %dma_wait3A_35] : memref<100000x128xf32, #tpu.memory_space<hbm>> -> memref<400x128xf32, #tpu.memory_space<hbm>>
    tpu.wait_dma2 semaphore(%arg7 : memref<!tpu.dma_semaphore, #tpu.memory_space<semaphore_mem>>) src(%dma_wait3A_36 : memref<400x128xf32, #tpu.memory_space<hbm>>) dst(%arg5 : memref<400x128xf32, #tpu.memory_space<vmem>>)
    %add3A_37 = arith.constant 400 : i32
    %add3A_38 = arith.addi %mul3A_2, %add3A_37 : i32
    %dma_start3A_39 = arith.constant 0 : i32
    %dma_start3A_40 = tpu.memref_slice %arg3[%add3A_38, %dma_start3A_39] : memref<100000x128xf32, #tpu.memory_space<hbm>> -> memref<400x128xf32, #tpu.memory_space<hbm>>
    %dma_start3A_41 = arith.constant 0 : i32
    %dma_start3A_42 = tpu.memref_slice %arg3[%add3A_38, %dma_start3A_41] : memref<100000x128xf32, #tpu.memory_space<hbm>> -> memref<400x128xf32, #tpu.memory_space<hbm>>
    tpu.enqueue_dma source(%arg5 : memref<400x128xf32, #tpu.memory_space<vmem>>) target(%dma_start3A_42 : memref<400x128xf32, #tpu.memory_space<hbm>>) target_semaphore(%arg9 : memref<!tpu.dma_semaphore, #tpu.memory_space<semaphore_mem>>)
    %dma_wait3A_43 = arith.constant 0 : i32
    %dma_wait3A_44 = tpu.memref_slice %arg3[%add3A_38, %dma_wait3A_43] : memref<100000x128xf32, #tpu.memory_space<hbm>> -> memref<400x128xf32, #tpu.memory_space<hbm>>
    %dma_wait3A_45 = arith.constant 0 : i32
    %dma_wait3A_46 = tpu.memref_slice %arg3[%add3A_38, %dma_wait3A_45] : memref<100000x128xf32, #tpu.memory_space<hbm>> -> memref<400x128xf32, #tpu.memory_space<hbm>>
    tpu.wait_dma2 semaphore(%arg9 : memref<!tpu.dma_semaphore, #tpu.memory_space<semaphore_mem>>) src(%arg5 : memref<400x128xf32, #tpu.memory_space<vmem>>) dst(%dma_wait3A_46 : memref<400x128xf32, #tpu.memory_space<hbm>>)
    %add3A_47 = arith.constant 1200 : i32
    %add3A_48 = arith.addi %mul3A_2, %add3A_47 : i32
    %dma_start3A_49 = arith.constant 0 : i32
    %dma_start3A_50 = tpu.memref_slice %arg2[%add3A_48, %dma_start3A_49] : memref<100000x128xf32, #tpu.memory_space<hbm>> -> memref<400x128xf32, #tpu.memory_space<hbm>>
    %dma_start3A_51 = arith.constant 0 : i32
    %dma_start3A_52 = tpu.memref_slice %arg2[%add3A_48, %dma_start3A_51] : memref<100000x128xf32, #tpu.memory_space<hbm>> -> memref<400x128xf32, #tpu.memory_space<hbm>>
    tpu.enqueue_dma source(%dma_start3A_52 : memref<400x128xf32, #tpu.memory_space<hbm>>) target(%arg5 : memref<400x128xf32, #tpu.memory_space<vmem>>) target_semaphore(%arg7 : memref<!tpu.dma_semaphore, #tpu.memory_space<semaphore_mem>>)
    %dma_wait3A_53 = arith.constant 0 : i32
    %dma_wait3A_54 = tpu.memref_slice %arg2[%add3A_28, %dma_wait3A_53] : memref<100000x128xf32, #tpu.memory_space<hbm>> -> memref<400x128xf32, #tpu.memory_space<hbm>>
    %dma_wait3A_55 = arith.constant 0 : i32
    %dma_wait3A_56 = tpu.memref_slice %arg2[%add3A_28, %dma_wait3A_55] : memref<100000x128xf32, #tpu.memory_space<hbm>> -> memref<400x128xf32, #tpu.memory_space<hbm>>
    tpu.wait_dma2 semaphore(%arg6 : memref<!tpu.dma_semaphore, #tpu.memory_space<semaphore_mem>>) src(%dma_wait3A_56 : memref<400x128xf32, #tpu.memory_space<hbm>>) dst(%arg4 : memref<400x128xf32, #tpu.memory_space<vmem>>)
    %add3A_57 = arith.constant 800 : i32
    %add3A_58 = arith.addi %mul3A_2, %add3A_57 : i32
    %dma_start3A_59 = arith.constant 0 : i32
    %dma_start3A_60 = tpu.memref_slice %arg3[%add3A_58, %dma_start3A_59] : memref<100000x128xf32, #tpu.memory_space<hbm>> -> memref<400x128xf32, #tpu.memory_space<hbm>>
    %dma_start3A_61 = arith.constant 0 : i32
    %dma_start3A_62 = tpu.memref_slice %arg3[%add3A_58, %dma_start3A_61] : memref<100000x128xf32, #tpu.memory_space<hbm>> -> memref<400x128xf32, #tpu.memory_space<hbm>>
    tpu.enqueue_dma source(%arg4 : memref<400x128xf32, #tpu.memory_space<vmem>>) target(%dma_start3A_62 : memref<400x128xf32, #tpu.memory_space<hbm>>) target_semaphore(%arg8 : memref<!tpu.dma_semaphore, #tpu.memory_space<semaphore_mem>>)
    %dma_wait3A_63 = arith.constant 0 : i32
    %dma_wait3A_64 = tpu.memref_slice %arg3[%add3A_58, %dma_wait3A_63] : memref<100000x128xf32, #tpu.memory_space<hbm>> -> memref<400x128xf32, #tpu.memory_space<hbm>>
    %dma_wait3A_65 = arith.constant 0 : i32
    %dma_wait3A_66 = tpu.memref_slice %arg3[%add3A_58, %dma_wait3A_65] : memref<100000x128xf32, #tpu.memory_space<hbm>> -> memref<400x128xf32, #tpu.memory_space<hbm>>
    tpu.wait_dma2 semaphore(%arg8 : memref<!tpu.dma_semaphore, #tpu.memory_space<semaphore_mem>>) src(%arg4 : memref<400x128xf32, #tpu.memory_space<vmem>>) dst(%dma_wait3A_66 : memref<400x128xf32, #tpu.memory_space<hbm>>)
    %add3A_67 = arith.constant 1600 : i32
    %add3A_68 = arith.addi %mul3A_2, %add3A_67 : i32
    %dma_start3A_69 = arith.constant 0 : i32
    %dma_start3A_70 = tpu.memref_slice %arg2[%add3A_68, %dma_start3A_69] : memref<100000x128xf32, #tpu.memory_space<hbm>> -> memref<400x128xf32, #tpu.memory_space<hbm>>
    %dma_start3A_71 = arith.constant 0 : i32
    %dma_start3A_72 = tpu.memref_slice %arg2[%add3A_68, %dma_start3A_71] : memref<100000x128xf32, #tpu.memory_space<hbm>> -> memref<400x128xf32, #tpu.memory_space<hbm>>
    tpu.enqueue_dma source(%dma_start3A_72 : memref<400x128xf32, #tpu.memory_space<hbm>>) target(%arg4 : memref<400x128xf32, #tpu.memory_space<vmem>>) target_semaphore(%arg6 : memref<!tpu.dma_semaphore, #tpu.memory_space<semaphore_mem>>)
    %dma_wait3A_73 = arith.constant 0 : i32
    %dma_wait3A_74 = tpu.memref_slice %arg2[%add3A_48, %dma_wait3A_73] : memref<100000x128xf32, #tpu.memory_space<hbm>> -> memref<400x128xf32, #tpu.memory_space<hbm>>
    %dma_wait3A_75 = arith.constant 0 : i32
    %dma_wait3A_76 = tpu.memref_slice %arg2[%add3A_48, %dma_wait3A_75] : memref<100000x128xf32, #tpu.memory_space<hbm>> -> memref<400x128xf32, #tpu.memory_space<hbm>>
    tpu.wait_dma2 semaphore(%arg7 : memref<!tpu.dma_semaphore, #tpu.memory_space<semaphore_mem>>) src(%dma_wait3A_76 : memref<400x128xf32, #tpu.memory_space<hbm>>) dst(%arg5 : memref<400x128xf32, #tpu.memory_space<vmem>>)
    %add3A_77 = arith.constant 1200 : i32
    %add3A_78 = arith.addi %mul3A_2, %add3A_77 : i32
    %dma_start3A_79 = arith.constant 0 : i32
    %dma_start3A_80 = tpu.memref_slice %arg3[%add3A_78, %dma_start3A_79] : memref<100000x128xf32, #tpu.memory_space<hbm>> -> memref<400x128xf32, #tpu.memory_space<hbm>>
    %dma_start3A_81 = arith.constant 0 : i32
    %dma_start3A_82 = tpu.memref_slice %arg3[%add3A_78, %dma_start3A_81] : memref<100000x128xf32, #tpu.memory_space<hbm>> -> memref<400x128xf32, #tpu.memory_space<hbm>>
    tpu.enqueue_dma source(%arg5 : memref<400x128xf32, #tpu.memory_space<vmem>>) target(%dma_start3A_82 : memref<400x128xf32, #tpu.memory_space<hbm>>) target_semaphore(%arg9 : memref<!tpu.dma_semaphore, #tpu.memory_space<semaphore_mem>>)
    %dma_wait3A_83 = arith.constant 0 : i32
    %dma_wait3A_84 = tpu.memref_slice %arg3[%add3A_78, %dma_wait3A_83] : memref<100000x128xf32, #tpu.memory_space<hbm>> -> memref<400x128xf32, #tpu.memory_space<hbm>>
    %dma_wait3A_85 = arith.constant 0 : i32
    %dma_wait3A_86 = tpu.memref_slice %arg3[%add3A_78, %dma_wait3A_85] : memref<100000x128xf32, #tpu.memory_space<hbm>> -> memref<400x128xf32, #tpu.memory_space<hbm>>
    tpu.wait_dma2 semaphore(%arg9 : memref<!tpu.dma_semaphore, #tpu.memory_space<semaphore_mem>>) src(%arg5 : memref<400x128xf32, #tpu.memory_space<vmem>>) dst(%dma_wait3A_86 : memref<400x128xf32, #tpu.memory_space<hbm>>)
    %add3A_87 = arith.constant 2000 : i32
    %add3A_88 = arith.addi %mul3A_2, %add3A_87 : i32
    %dma_start3A_89 = arith.constant 0 : i32
    %dma_start3A_90 = tpu.memref_slice %arg2[%add3A_88, %dma_start3A_89] : memref<100000x128xf32, #tpu.memory_space<hbm>> -> memref<400x128xf32, #tpu.memory_space<hbm>>
    %dma_start3A_91 = arith.constant 0 : i32
    %dma_start3A_92 = tpu.memref_slice %arg2[%add3A_88, %dma_start3A_91] : memref<100000x128xf32, #tpu.memory_space<hbm>> -> memref<400x128xf32, #tpu.memory_space<hbm>>
    tpu.enqueue_dma source(%dma_start3A_92 : memref<400x128xf32, #tpu.memory_space<hbm>>) target(%arg5 : memref<400x128xf32, #tpu.memory_space<vmem>>) target_semaphore(%arg7 : memref<!tpu.dma_semaphore, #tpu.memory_space<semaphore_mem>>)
    %dma_wait3A_93 = arith.constant 0 : i32
    %dma_wait3A_94 = tpu.memref_slice %arg2[%add3A_68, %dma_wait3A_93] : memref<100000x128xf32, #tpu.memory_space<hbm>> -> memref<400x128xf32, #tpu.memory_space<hbm>>
    %dma_wait3A_95 = arith.constant 0 : i32
    %dma_wait3A_96 = tpu.memref_slice %arg2[%add3A_68, %dma_wait3A_95] : memref<100000x128xf32, #tpu.memory_space<hbm>> -> memref<400x128xf32, #tpu.memory_space<hbm>>
    tpu.wait_dma2 semaphore(%arg6 : memref<!tpu.dma_semaphore, #tpu.memory_space<semaphore_mem>>) src(%dma_wait3A_96 : memref<400x128xf32, #tpu.memory_space<hbm>>) dst(%arg4 : memref<400x128xf32, #tpu.memory_space<vmem>>)
    %add3A_97 = arith.constant 1600 : i32
    %add3A_98 = arith.addi %mul3A_2, %add3A_97 : i32
    %dma_start3A_99 = arith.constant 0 : i32
    %dma_start3A_100 = tpu.memref_slice %arg3[%add3A_98, %dma_start3A_99] : memref<100000x128xf32, #tpu.memory_space<hbm>> -> memref<400x128xf32, #tpu.memory_space<hbm>>
    %dma_start3A_101 = arith.constant 0 : i32
    %dma_start3A_102 = tpu.memref_slice %arg3[%add3A_98, %dma_start3A_101] : memref<100000x128xf32, #tpu.memory_space<hbm>> -> memref<400x128xf32, #tpu.memory_space<hbm>>
    tpu.enqueue_dma source(%arg4 : memref<400x128xf32, #tpu.memory_space<vmem>>) target(%dma_start3A_102 : memref<400x128xf32, #tpu.memory_space<hbm>>) target_semaphore(%arg8 : memref<!tpu.dma_semaphore, #tpu.memory_space<semaphore_mem>>)
    %dma_wait3A_103 = arith.constant 0 : i32
    %dma_wait3A_104 = tpu.memref_slice %arg3[%add3A_98, %dma_wait3A_103] : memref<100000x128xf32, #tpu.memory_space<hbm>> -> memref<400x128xf32, #tpu.memory_space<hbm>>
    %dma_wait3A_105 = arith.constant 0 : i32
    %dma_wait3A_106 = tpu.memref_slice %arg3[%add3A_98, %dma_wait3A_105] : memref<100000x128xf32, #tpu.memory_space<hbm>> -> memref<400x128xf32, #tpu.memory_space<hbm>>
    tpu.wait_dma2 semaphore(%arg8 : memref<!tpu.dma_semaphore, #tpu.memory_space<semaphore_mem>>) src(%arg4 : memref<400x128xf32, #tpu.memory_space<vmem>>) dst(%dma_wait3A_106 : memref<400x128xf32, #tpu.memory_space<hbm>>)
    %add3A_107 = arith.constant 2400 : i32
    %add3A_108 = arith.addi %mul3A_2, %add3A_107 : i32
    %dma_start3A_109 = arith.constant 0 : i32
    %dma_start3A_110 = tpu.memref_slice %arg2[%add3A_108, %dma_start3A_109] : memref<100000x128xf32, #tpu.memory_space<hbm>> -> memref<400x128xf32, #tpu.memory_space<hbm>>
    %dma_start3A_111 = arith.constant 0 : i32
    %dma_start3A_112 = tpu.memref_slice %arg2[%add3A_108, %dma_start3A_111] : memref<100000x128xf32, #tpu.memory_space<hbm>> -> memref<400x128xf32, #tpu.memory_space<hbm>>
    tpu.enqueue_dma source(%dma_start3A_112 : memref<400x128xf32, #tpu.memory_space<hbm>>) target(%arg4 : memref<400x128xf32, #tpu.memory_space<vmem>>) target_semaphore(%arg6 : memref<!tpu.dma_semaphore, #tpu.memory_space<semaphore_mem>>)
    %dma_wait3A_113 = arith.constant 0 : i32
    %dma_wait3A_114 = tpu.memref_slice %arg2[%add3A_88, %dma_wait3A_113] : memref<100000x128xf32, #tpu.memory_space<hbm>> -> memref<400x128xf32, #tpu.memory_space<hbm>>
    %dma_wait3A_115 = arith.constant 0 : i32
    %dma_wait3A_116 = tpu.memref_slice %arg2[%add3A_88, %dma_wait3A_115] : memref<100000x128xf32, #tpu.memory_space<hbm>> -> memref<400x128xf32, #tpu.memory_space<hbm>>
    tpu.wait_dma2 semaphore(%arg7 : memref<!tpu.dma_semaphore, #tpu.memory_space<semaphore_mem>>) src(%dma_wait3A_116 : memref<400x128xf32, #tpu.memory_space<hbm>>) dst(%arg5 : memref<400x128xf32, #tpu.memory_space<vmem>>)
    %add3A_117 = arith.constant 2000 : i32
    %add3A_118 = arith.addi %mul3A_2, %add3A_117 : i32
    %dma_start3A_119 = arith.constant 0 : i32
    %dma_start3A_120 = tpu.memref_slice %arg3[%add3A_118, %dma_start3A_119] : memref<100000x128xf32, #tpu.memory_space<hbm>> -> memref<400x128xf32, #tpu.memory_space<hbm>>
    %dma_start3A_121 = arith.constant 0 : i32
    %dma_start3A_122 = tpu.memref_slice %arg3[%add3A_118, %dma_start3A_121] : memref<100000x128xf32, #tpu.memory_space<hbm>> -> memref<400x128xf32, #tpu.memory_space<hbm>>
    tpu.enqueue_dma source(%arg5 : memref<400x128xf32, #tpu.memory_space<vmem>>) target(%dma_start3A_122 : memref<400x128xf32, #tpu.memory_space<hbm>>) target_semaphore(%arg9 : memref<!tpu.dma_semaphore, #tpu.memory_space<semaphore_mem>>)
    %dma_wait3A_123 = arith.constant 0 : i32
    %dma_wait3A_124 = tpu.memref_slice %arg3[%add3A_118, %dma_wait3A_123] : memref<100000x128xf32, #tpu.memory_space<hbm>> -> memref<400x128xf32, #tpu.memory_space<hbm>>
    %dma_wait3A_125 = arith.constant 0 : i32
    %dma_wait3A_126 = tpu.memref_slice %arg3[%add3A_118, %dma_wait3A_125] : memref<100000x128xf32, #tpu.memory_space<hbm>> -> memref<400x128xf32, #tpu.memory_space<hbm>>
    tpu.wait_dma2 semaphore(%arg9 : memref<!tpu.dma_semaphore, #tpu.memory_space<semaphore_mem>>) src(%arg5 : memref<400x128xf32, #tpu.memory_space<vmem>>) dst(%dma_wait3A_126 : memref<400x128xf32, #tpu.memory_space<hbm>>)
    %add3A_127 = arith.constant 2800 : i32
    %add3A_128 = arith.addi %mul3A_2, %add3A_127 : i32
    %dma_start3A_129 = arith.constant 0 : i32
    %dma_start3A_130 = arith.constant 0 : i32
    %dma_start3A_131 = tpu.memref_slice %arg5[%dma_start3A_129, %dma_start3A_130] : memref<400x128xf32, #tpu.memory_space<vmem>> -> memref<320x128xf32, #tpu.memory_space<vmem>>
    %dma_start3A_132 = arith.constant 0 : i32
    %dma_start3A_133 = tpu.memref_slice %arg2[%add3A_128, %dma_start3A_132] : memref<100000x128xf32, #tpu.memory_space<hbm>> -> memref<320x128xf32, #tpu.memory_space<hbm>>
    %dma_start3A_134 = arith.constant 0 : i32
    %dma_start3A_135 = arith.constant 0 : i32
    %dma_start3A_136 = tpu.memref_slice %arg5[%dma_start3A_134, %dma_start3A_135] : memref<400x128xf32, #tpu.memory_space<vmem>> -> memref<320x128xf32, #tpu.memory_space<vmem>>
    %dma_start3A_137 = arith.constant 0 : i32
    %dma_start3A_138 = tpu.memref_slice %arg2[%add3A_128, %dma_start3A_137] : memref<100000x128xf32, #tpu.memory_space<hbm>> -> memref<320x128xf32, #tpu.memory_space<hbm>>
    tpu.enqueue_dma source(%dma_start3A_138 : memref<320x128xf32, #tpu.memory_space<hbm>>) target(%dma_start3A_136 : memref<320x128xf32, #tpu.memory_space<vmem>>) target_semaphore(%arg7 : memref<!tpu.dma_semaphore, #tpu.memory_space<semaphore_mem>>)
    %dma_wait3A_139 = arith.constant 0 : i32
    %dma_wait3A_140 = tpu.memref_slice %arg2[%add3A_108, %dma_wait3A_139] : memref<100000x128xf32, #tpu.memory_space<hbm>> -> memref<400x128xf32, #tpu.memory_space<hbm>>
    %dma_wait3A_141 = arith.constant 0 : i32
    %dma_wait3A_142 = tpu.memref_slice %arg2[%add3A_108, %dma_wait3A_141] : memref<100000x128xf32, #tpu.memory_space<hbm>> -> memref<400x128xf32, #tpu.memory_space<hbm>>
    tpu.wait_dma2 semaphore(%arg6 : memref<!tpu.dma_semaphore, #tpu.memory_space<semaphore_mem>>) src(%dma_wait3A_142 : memref<400x128xf32, #tpu.memory_space<hbm>>) dst(%arg4 : memref<400x128xf32, #tpu.memory_space<vmem>>)
    %add3A_143 = arith.constant 2400 : i32
    %add3A_144 = arith.addi %mul3A_2, %add3A_143 : i32
    %dma_start3A_145 = arith.constant 0 : i32
    %dma_start3A_146 = tpu.memref_slice %arg3[%add3A_144, %dma_start3A_145] : memref<100000x128xf32, #tpu.memory_space<hbm>> -> memref<400x128xf32, #tpu.memory_space<hbm>>
    %dma_start3A_147 = arith.constant 0 : i32
    %dma_start3A_148 = tpu.memref_slice %arg3[%add3A_144, %dma_start3A_147] : memref<100000x128xf32, #tpu.memory_space<hbm>> -> memref<400x128xf32, #tpu.memory_space<hbm>>
    tpu.enqueue_dma source(%arg4 : memref<400x128xf32, #tpu.memory_space<vmem>>) target(%dma_start3A_148 : memref<400x128xf32, #tpu.memory_space<hbm>>) target_semaphore(%arg8 : memref<!tpu.dma_semaphore, #tpu.memory_space<semaphore_mem>>)
    %dma_wait3A_149 = arith.constant 0 : i32
    %dma_wait3A_150 = arith.constant 0 : i32
    %dma_wait3A_151 = tpu.memref_slice %arg5[%dma_wait3A_149, %dma_wait3A_150] : memref<400x128xf32, #tpu.memory_space<vmem>> -> memref<320x128xf32, #tpu.memory_space<vmem>>
    %dma_wait3A_152 = arith.constant 0 : i32
    %dma_wait3A_153 = tpu.memref_slice %arg2[%add3A_128, %dma_wait3A_152] : memref<100000x128xf32, #tpu.memory_space<hbm>> -> memref<320x128xf32, #tpu.memory_space<hbm>>
    %dma_wait3A_154 = arith.constant 0 : i32
    %dma_wait3A_155 = arith.constant 0 : i32
    %dma_wait3A_156 = tpu.memref_slice %arg5[%dma_wait3A_154, %dma_wait3A_155] : memref<400x128xf32, #tpu.memory_space<vmem>> -> memref<320x128xf32, #tpu.memory_space<vmem>>
    %dma_wait3A_157 = arith.constant 0 : i32
    %dma_wait3A_158 = tpu.memref_slice %arg2[%add3A_128, %dma_wait3A_157] : memref<100000x128xf32, #tpu.memory_space<hbm>> -> memref<320x128xf32, #tpu.memory_space<hbm>>
    tpu.wait_dma2 semaphore(%arg7 : memref<!tpu.dma_semaphore, #tpu.memory_space<semaphore_mem>>) src(%dma_wait3A_158 : memref<320x128xf32, #tpu.memory_space<hbm>>) dst(%dma_wait3A_156 : memref<320x128xf32, #tpu.memory_space<vmem>>)
    %add3A_159 = arith.constant 2800 : i32
    %add3A_160 = arith.addi %mul3A_2, %add3A_159 : i32
    %dma_start3A_161 = arith.constant 0 : i32
    %dma_start3A_162 = arith.constant 0 : i32
    %dma_start3A_163 = tpu.memref_slice %arg5[%dma_start3A_161, %dma_start3A_162] : memref<400x128xf32, #tpu.memory_space<vmem>> -> memref<320x128xf32, #tpu.memory_space<vmem>>
    %dma_start3A_164 = arith.constant 0 : i32
    %dma_start3A_165 = tpu.memref_slice %arg3[%add3A_160, %dma_start3A_164] : memref<100000x128xf32, #tpu.memory_space<hbm>> -> memref<320x128xf32, #tpu.memory_space<hbm>>
    %dma_start3A_166 = arith.constant 0 : i32
    %dma_start3A_167 = tpu.memref_slice %arg3[%add3A_160, %dma_start3A_166] : memref<100000x128xf32, #tpu.memory_space<hbm>> -> memref<320x128xf32, #tpu.memory_space<hbm>>
    %dma_start3A_168 = arith.constant 0 : i32
    %dma_start3A_169 = arith.constant 0 : i32
    %dma_start3A_170 = tpu.memref_slice %arg5[%dma_start3A_168, %dma_start3A_169] : memref<400x128xf32, #tpu.memory_space<vmem>> -> memref<320x128xf32, #tpu.memory_space<vmem>>
    tpu.enqueue_dma source(%dma_start3A_170 : memref<320x128xf32, #tpu.memory_space<vmem>>) target(%dma_start3A_167 : memref<320x128xf32, #tpu.memory_space<hbm>>) target_semaphore(%arg9 : memref<!tpu.dma_semaphore, #tpu.memory_space<semaphore_mem>>)
    %dma_wait3A_171 = arith.constant 0 : i32
    %dma_wait3A_172 = tpu.memref_slice %arg3[%add3A_144, %dma_wait3A_171] : memref<100000x128xf32, #tpu.memory_space<hbm>> -> memref<400x128xf32, #tpu.memory_space<hbm>>
    %dma_wait3A_173 = arith.constant 0 : i32
    %dma_wait3A_174 = tpu.memref_slice %arg3[%add3A_144, %dma_wait3A_173] : memref<100000x128xf32, #tpu.memory_space<hbm>> -> memref<400x128xf32, #tpu.memory_space<hbm>>
    tpu.wait_dma2 semaphore(%arg8 : memref<!tpu.dma_semaphore, #tpu.memory_space<semaphore_mem>>) src(%arg4 : memref<400x128xf32, #tpu.memory_space<vmem>>) dst(%dma_wait3A_174 : memref<400x128xf32, #tpu.memory_space<hbm>>)
    %dma_wait3A_175 = arith.constant 0 : i32
    %dma_wait3A_176 = arith.constant 0 : i32
    %dma_wait3A_177 = tpu.memref_slice %arg5[%dma_wait3A_175, %dma_wait3A_176] : memref<400x128xf32, #tpu.memory_space<vmem>> -> memref<320x128xf32, #tpu.memory_space<vmem>>
    %dma_wait3A_178 = arith.constant 0 : i32
    %dma_wait3A_179 = tpu.memref_slice %arg3[%add3A_160, %dma_wait3A_178] : memref<100000x128xf32, #tpu.memory_space<hbm>> -> memref<320x128xf32, #tpu.memory_space<hbm>>
    %dma_wait3A_180 = arith.constant 0 : i32
    %dma_wait3A_181 = tpu.memref_slice %arg3[%add3A_160, %dma_wait3A_180] : memref<100000x128xf32, #tpu.memory_space<hbm>> -> memref<320x128xf32, #tpu.memory_space<hbm>>
    %dma_wait3A_182 = arith.constant 0 : i32
    %dma_wait3A_183 = arith.constant 0 : i32
    %dma_wait3A_184 = tpu.memref_slice %arg5[%dma_wait3A_182, %dma_wait3A_183] : memref<400x128xf32, #tpu.memory_space<vmem>> -> memref<320x128xf32, #tpu.memory_space<vmem>>
    tpu.wait_dma2 semaphore(%arg9 : memref<!tpu.dma_semaphore, #tpu.memory_space<semaphore_mem>>) src(%dma_wait3A_184 : memref<320x128xf32, #tpu.memory_space<vmem>>) dst(%dma_wait3A_181 : memref<320x128xf32, #tpu.memory_space<hbm>>)
    %lt3A = arith.constant 20 : i32
    %lt3A_185 = arith.cmpi slt, %add3A, %lt3A : i32
    %convert_element_type3A = arith.extui %lt3A_185 : i1 to i32
    %cond3A = arith.constant 0 : i32
    %cond3A_186 = arith.cmpi ne, %convert_element_type3A, %cond3A : i32
    scf.if %cond3A_186 {
      %mul3A_187 = arith.constant 8 : i32
      %mul3A_188 = arith.muli %add3A, %mul3A_187 : i32
      %add3A_189 = arith.constant 99840 : i32
      %add3A_190 = arith.addi %add3A_189, %mul3A_188 : i32
      "tpu.region"() ({
        %run_scoped3A = tpu.sem_alloc : memref<!tpu.dma_semaphore, #tpu.memory_space<semaphore_mem>>
        %dma_start3A_191 = arith.constant 0 : i32
        %dma_start3A_192 = arith.constant 0 : i32
        %dma_start3A_193 = tpu.memref_slice %arg4[%dma_start3A_191, %dma_start3A_192] : memref<400x128xf32, #tpu.memory_space<vmem>> -> memref<8x128xf32, #tpu.memory_space<vmem>>
        %dma_start3A_194 = arith.constant 0 : i32
        %dma_start3A_195 = tpu.memref_slice %arg2[%add3A_190, %dma_start3A_194] : memref<100000x128xf32, #tpu.memory_space<hbm>> -> memref<8x128xf32, #tpu.memory_space<hbm>>
        %dma_start3A_196 = arith.constant 0 : i32
        %dma_start3A_197 = arith.constant 0 : i32
        %dma_start3A_198 = tpu.memref_slice %arg4[%dma_start3A_196, %dma_start3A_197] : memref<400x128xf32, #tpu.memory_space<vmem>> -> memref<8x128xf32, #tpu.memory_space<vmem>>
        %dma_start3A_199 = arith.constant 0 : i32
        %dma_start3A_200 = tpu.memref_slice %arg2[%add3A_190, %dma_start3A_199] : memref<100000x128xf32, #tpu.memory_space<hbm>> -> memref<8x128xf32, #tpu.memory_space<hbm>>
        tpu.enqueue_dma source(%dma_start3A_200 : memref<8x128xf32, #tpu.memory_space<hbm>>) target(%dma_start3A_198 : memref<8x128xf32, #tpu.memory_space<vmem>>) target_semaphore(%run_scoped3A : memref<!tpu.dma_semaphore, #tpu.memory_space<semaphore_mem>>)
        %dma_wait3A_201 = arith.constant 0 : i32
        %dma_wait3A_202 = arith.constant 0 : i32
        %dma_wait3A_203 = tpu.memref_slice %arg4[%dma_wait3A_201, %dma_wait3A_202] : memref<400x128xf32, #tpu.memory_space<vmem>> -> memref<8x128xf32, #tpu.memory_space<vmem>>
        %dma_wait3A_204 = arith.constant 0 : i32
        %dma_wait3A_205 = tpu.memref_slice %arg2[%add3A_190, %dma_wait3A_204] : memref<100000x128xf32, #tpu.memory_space<hbm>> -> memref<8x128xf32, #tpu.memory_space<hbm>>
        %dma_wait3A_206 = arith.constant 0 : i32
        %dma_wait3A_207 = arith.constant 0 : i32
        %dma_wait3A_208 = tpu.memref_slice %arg4[%dma_wait3A_206, %dma_wait3A_207] : memref<400x128xf32, #tpu.memory_space<vmem>> -> memref<8x128xf32, #tpu.memory_space<vmem>>
        %dma_wait3A_209 = arith.constant 0 : i32
        %dma_wait3A_210 = tpu.memref_slice %arg2[%add3A_190, %dma_wait3A_209] : memref<100000x128xf32, #tpu.memory_space<hbm>> -> memref<8x128xf32, #tpu.memory_space<hbm>>
        tpu.wait_dma2 semaphore(%run_scoped3A : memref<!tpu.dma_semaphore, #tpu.memory_space<semaphore_mem>>) src(%dma_wait3A_210 : memref<8x128xf32, #tpu.memory_space<hbm>>) dst(%dma_wait3A_208 : memref<8x128xf32, #tpu.memory_space<vmem>>)
        tpu.yield
      }) : () -> ()
      "tpu.region"() ({
        %run_scoped3A = tpu.sem_alloc : memref<!tpu.dma_semaphore, #tpu.memory_space<semaphore_mem>>
        %dma_start3A_191 = arith.constant 0 : i32
        %dma_start3A_192 = arith.constant 0 : i32
        %dma_start3A_193 = tpu.memref_slice %arg4[%dma_start3A_191, %dma_start3A_192] : memref<400x128xf32, #tpu.memory_space<vmem>> -> memref<8x128xf32, #tpu.memory_space<vmem>>
        %dma_start3A_194 = arith.constant 0 : i32
        %dma_start3A_195 = tpu.memref_slice %arg3[%add3A_190, %dma_start3A_194] : memref<100000x128xf32, #tpu.memory_space<hbm>> -> memref<8x128xf32, #tpu.memory_space<hbm>>
        %dma_start3A_196 = arith.constant 0 : i32
        %dma_start3A_197 = tpu.memref_slice %arg3[%add3A_190, %dma_start3A_196] : memref<100000x128xf32, #tpu.memory_space<hbm>> -> memref<8x128xf32, #tpu.memory_space<hbm>>
        %dma_start3A_198 = arith.constant 0 : i32
        %dma_start3A_199 = arith.constant 0 : i32
        %dma_start3A_200 = tpu.memref_slice %arg4[%dma_start3A_198, %dma_start3A_199] : memref<400x128xf32, #tpu.memory_space<vmem>> -> memref<8x128xf32, #tpu.memory_space<vmem>>
        tpu.enqueue_dma source(%dma_start3A_200 : memref<8x128xf32, #tpu.memory_space<vmem>>) target(%dma_start3A_197 : memref<8x128xf32, #tpu.memory_space<hbm>>) target_semaphore(%run_scoped3A : memref<!tpu.dma_semaphore, #tpu.memory_space<semaphore_mem>>)
        %dma_wait3A_201 = arith.constant 0 : i32
        %dma_wait3A_202 = arith.constant 0 : i32
        %dma_wait3A_203 = tpu.memref_slice %arg4[%dma_wait3A_201, %dma_wait3A_202] : memref<400x128xf32, #tpu.memory_space<vmem>> -> memref<8x128xf32, #tpu.memory_space<vmem>>
        %dma_wait3A_204 = arith.constant 0 : i32
        %dma_wait3A_205 = tpu.memref_slice %arg3[%add3A_190, %dma_wait3A_204] : memref<100000x128xf32, #tpu.memory_space<hbm>> -> memref<8x128xf32, #tpu.memory_space<hbm>>
        %dma_wait3A_206 = arith.constant 0 : i32
        %dma_wait3A_207 = tpu.memref_slice %arg3[%add3A_190, %dma_wait3A_206] : memref<100000x128xf32, #tpu.memory_space<hbm>> -> memref<8x128xf32, #tpu.memory_space<hbm>>
        %dma_wait3A_208 = arith.constant 0 : i32
        %dma_wait3A_209 = arith.constant 0 : i32
        %dma_wait3A_210 = tpu.memref_slice %arg4[%dma_wait3A_208, %dma_wait3A_209] : memref<400x128xf32, #tpu.memory_space<vmem>> -> memref<8x128xf32, #tpu.memory_space<vmem>>
        tpu.wait_dma2 semaphore(%run_scoped3A : memref<!tpu.dma_semaphore, #tpu.memory_space<semaphore_mem>>) src(%dma_wait3A_210 : memref<8x128xf32, #tpu.memory_space<vmem>>) dst(%dma_wait3A_207 : memref<8x128xf32, #tpu.memory_space<hbm>>)
        tpu.yield
      }) : () -> ()
    } else {
    }
    return
  }
}

module attributes {stable_mosaic.version = 14 : i64} {
  func.func @_md_fixup_body(%arg0: memref<100000x128xf32, #tpu.memory_space<hbm>>, %arg1: memref<1xf32, #tpu.memory_space<smem>>, %arg2: memref<1x128xf32, #tpu.memory_space<vmem>>, %arg3: memref<1xi32, #tpu.memory_space<smem>>, %arg4: memref<100000x128xf32, #tpu.memory_space<hbm>>, %arg5: memref<1x128xf32, #tpu.memory_space<vmem>>, %arg6: memref<!tpu.dma_semaphore, #tpu.memory_space<semaphore_mem>>) attributes {dimension_semantics = [], scalar_prefetch = 0 : i64, scratch_operands = 2 : i64, tpu.core_type = #tpu.core_type<tc>} {
    %get3A = arith.constant 0 : index
    %get3A_0 = memref.load %arg1[%get3A] : memref<1xf32, #tpu.memory_space<smem>>
    %le3A = arith.constant 2.000000e+03 : f32
    %le3A_1 = arith.cmpf ole, %get3A_0, %le3A : f32
    %convert_element_type3A = arith.extui %le3A_1 : i1 to i32
    %cond3A = arith.constant 0 : i32
    %cond3A_2 = arith.cmpi ne, %convert_element_type3A, %cond3A : i32
    scf.if %cond3A_2 {
      %get3A_3 = arith.constant 0 : index
      %get3A_4 = arith.constant 0 : index
      %get3A_5 = vector.load %arg2[%get3A_3, %get3A_4] : memref<1x128xf32, #tpu.memory_space<vmem>>, vector<1x128xf32>
      %swap3A = arith.constant 0 : index
      %swap3A_6 = arith.constant 0 : index
      %swap3A_7 = vector.load %arg5[%swap3A, %swap3A_6] : memref<1x128xf32, #tpu.memory_space<vmem>>, vector<1x128xf32>
      tpu.vector_store %arg5[%swap3A, %swap3A_6], %get3A_5 {strides = array<i32>} : memref<1x128xf32, #tpu.memory_space<vmem>>, vector<1x128xf32>,
      %get3A_8 = arith.constant 0 : index
      %get3A_9 = memref.load %arg3[%get3A_8] : memref<1xi32, #tpu.memory_space<smem>>
      %dma_start3A = arith.constant 0 : i32
      %dma_start3A_10 = tpu.memref_slice %arg4[%get3A_9, %dma_start3A] : memref<100000x128xf32, #tpu.memory_space<hbm>> -> memref<1x128xf32, #tpu.memory_space<hbm>>
      tpu.enqueue_dma source(%arg5 : memref<1x128xf32, #tpu.memory_space<vmem>>) target(%dma_start3A_10 : memref<1x128xf32, #tpu.memory_space<hbm>>) target_semaphore(%arg6 : memref<!tpu.dma_semaphore, #tpu.memory_space<semaphore_mem>>)
      %dma_wait3A = arith.constant 0 : i32
      %dma_wait3A_11 = tpu.memref_slice %arg4[%get3A_9, %dma_wait3A] : memref<100000x128xf32, #tpu.memory_space<hbm>> -> memref<1x128xf32, #tpu.memory_space<hbm>>
      tpu.wait_dma2 semaphore(%arg6 : memref<!tpu.dma_semaphore, #tpu.memory_space<semaphore_mem>>) src(%arg5 : memref<1x128xf32, #tpu.memory_space<vmem>>) dst(%dma_wait3A_11 : memref<1x128xf32, #tpu.memory_space<hbm>>)
    } else {
    }
    return
  }
}

module attributes {stable_mosaic.version = 14 : i64} {
  func.func @_tc_body(%arg0: i32, %arg1: memref<1xi32, #tpu.memory_space<smem>>, %arg2: memref<1x128xf32, #tpu.memory_space<vmem>>, %arg3: memref<1x128xf32, #tpu.memory_space<vmem>>, %arg4: memref<1x128xf32, #tpu.memory_space<vmem>>, %arg5: memref<128x256xf32, #tpu.memory_space<vmem>>, %arg6: memref<1x256xf32, #tpu.memory_space<vmem>>, %arg7: memref<5000x256xf32, #tpu.memory_space<vmem>>, %arg8: memref<1x1xf32, #tpu.memory_space<vmem>>, %arg9: memref<5000x256xf32, #tpu.memory_space<vmem>>, %arg10: memref<1x256xf32, #tpu.memory_space<vmem>>, %arg11: memref<1xf32, #tpu.memory_space<smem>>) attributes {dimension_semantics = [#tpu.dimension_semantics<arbitrary>], iteration_bounds = array<i64: 21>, scalar_prefetch = 1 : i64, scratch_operands = 2 : i64, tpu.core_type = #tpu.core_type<tc>, window_params = [{pipeline_mode = #tpu.pipeline_mode<synchronous>, transform_indices = @transform_0, window_bounds = array<i64: 1, 128>}, {pipeline_mode = #tpu.pipeline_mode<synchronous>, transform_indices = @transform_1, window_bounds = array<i64: 1, 128>}, {pipeline_mode = #tpu.pipeline_mode<synchronous>, transform_indices = @transform_2, window_bounds = array<i64: 1, 128>}, {pipeline_mode = #tpu.pipeline_mode<synchronous>, transform_indices = @transform_3, window_bounds = array<i64: 128, 256>}, {pipeline_mode = #tpu.pipeline_mode<synchronous>, transform_indices = @transform_4, window_bounds = array<i64: 1, 256>}, {transform_indices = @transform_5, window_bounds = array<i64: 5000, 256>}, {pipeline_mode = #tpu.pipeline_mode<synchronous>, transform_indices = @transform_6, window_bounds = array<i64: 1, 1>}, {transform_indices = @transform_7, window_bounds = array<i64: 5000, 256>}]} {
    %eq3A = arith.constant 0 : i32
    %eq3A_0 = arith.cmpi eq, %arg0, %eq3A : i32
    %convert_element_type3A = arith.extui %eq3A_0 : i1 to i32
    %cond3A = arith.constant 0 : i32
    %cond3A_1 = arith.cmpi ne, %convert_element_type3A, %cond3A : i32
    scf.if %cond3A_1 {
      %get3A = arith.constant 0 : index
      %get3A_11 = arith.constant 0 : index
      %get3A_12 = vector.load %arg2[%get3A, %get3A_11] : memref<1x128xf32, #tpu.memory_space<vmem>>, vector<1x128xf32>
      %get3A_13 = arith.constant 0 : index
      %get3A_14 = arith.constant 0 : index
      %get3A_15 = vector.load %arg4[%get3A_13, %get3A_14] : memref<1x128xf32, #tpu.memory_space<vmem>>, vector<1x128xf32>
      %eq3A_16 = arith.constant 0.000000e+00 : f32
      %eq3A_17 = vector.broadcast %eq3A_16 : f32 to vector<1x128xf32>
      %eq3A_18 = arith.cmpf oeq, %get3A_15, %eq3A_17 : vector<1x128xf32>
      %get3A_19 = arith.constant 0 : index
      %get3A_20 = arith.constant 0 : index
      %get3A_21 = vector.load %arg3[%get3A_19, %get3A_20] : memref<1x128xf32, #tpu.memory_space<vmem>>, vector<1x128xf32>
      %sub3A = arith.subf %get3A_12, %get3A_21 : vector<1x128xf32>
      %div3A = arith.divf %sub3A, %get3A_15 : vector<1x128xf32>
      %jit3A = arith.constant 0.000000e+00 : f32
      %broadcast_in_dim3A = vector.broadcast %jit3A : f32 to vector<1x128xf32>
      %select_n3A = arith.select %eq3A_18, %broadcast_in_dim3A, %div3A : vector<1x128xi1>, vector<1x128xf32>
      %get3A_22 = arith.constant 0 : index
      %get3A_23 = arith.constant 0 : index
      %get3A_24 = vector.load %arg5[%get3A_22, %get3A_23] : memref<128x256xf32, #tpu.memory_space<vmem>>, vector<128x256xf32>
      %dot_general3A = arith.constant dense<0.000000e+00> : vector<1x256xf32>
      %dot_general3A_25 = tpu.matmul %select_n3A, %get3A_24, %dot_general3A {dimension_numbers = #tpu.dot_dimension_numbers<[1], [0], [0], [1], [0, 0, 1, 1], [], []>, transpose_lhs_hint = false} : vector<1x128xf32>, vector<128x256xf32>, vector<1x256xf32> -> vector<1x256xf32>
      %get3A_26 = arith.constant 0 : index
      %get3A_27 = arith.constant 0 : index
      %get3A_28 = vector.load %arg6[%get3A_26, %get3A_27] : memref<1x256xf32, #tpu.memory_space<vmem>>, vector<1x256xf32>
      %add3A = arith.addf %dot_general3A_25, %get3A_28 : vector<1x256xf32>
      %reduce_max3A = vector.shape_cast %add3A : vector<1x256xf32> to vector<1x1x256xf32>
      %reduce_max3A_29 = arith.constant dense<0xFF800000> : vector<1xf32>
      %reduce_max3A_30 = vector.multi_reduction <maximumf>, %reduce_max3A, %reduce_max3A_29 [1, 2] : vector<1x1x256xf32> to vector<1xf32>
      %reduce_max3A_31 = vector.shape_cast %reduce_max3A_30 : vector<1xf32> to vector<1x1x1xf32>
      %reduce_max3A_32 = vector.extract %reduce_max3A_31[0, 0, 0] : f32 from vector<1x1x1xf32>
      %sub3A_33 = vector.broadcast %reduce_max3A_32 : f32 to vector<1x256xf32>
      %sub3A_34 = arith.subf %add3A, %sub3A_33 : vector<1x256xf32>
      %exp3A = math.exp %sub3A_34 : vector<1x256xf32>
      %reduce_sum3A = vector.shape_cast %exp3A : vector<1x256xf32> to vector<1x1x256xf32>
      %reduce_sum3A_35 = arith.constant dense<0.000000e+00> : vector<1xf32>
      %reduce_sum3A_36 = vector.multi_reduction <add>, %reduce_sum3A, %reduce_sum3A_35 [1, 2] : vector<1x1x256xf32> to vector<1xf32>
      %reduce_sum3A_37 = vector.shape_cast %reduce_sum3A_36 : vector<1xf32> to vector<1x1x1xf32>
      %reduce_sum3A_38 = vector.extract %reduce_sum3A_37[0, 0, 0] : f32 from vector<1x1x1xf32>
      %log3A = math.log %reduce_sum3A_38 : f32
      %add3A_39 = arith.addf %log3A, %reduce_max3A_32 : f32
      %sub3A_40 = vector.broadcast %add3A_39 : f32 to vector<1x256xf32>
      %sub3A_41 = arith.subf %add3A, %sub3A_40 : vector<1x256xf32>
      %swap3A = arith.constant 0 : index
      %swap3A_42 = arith.constant 0 : index
      %swap3A_43 = vector.load %arg10[%swap3A, %swap3A_42] : memref<1x256xf32, #tpu.memory_space<vmem>>, vector<1x256xf32>
      tpu.vector_store %arg10[%swap3A, %swap3A_42], %sub3A_41 {strides = array<i32>} : memref<1x256xf32, #tpu.memory_space<vmem>>, vector<1x256xf32>,
      %swap3A_44 = arith.constant 0x7F800000 : f32
      %swap3A_45 = arith.constant 0 : index
      %swap3A_46 = memref.load %arg11[%swap3A_45] : memref<1xf32, #tpu.memory_space<smem>>
      memref.store %swap3A_44, %arg11[%swap3A_45] : memref<1xf32, #tpu.memory_space<smem>>
    } else {
    }
    %lt3A = arith.constant 20 : i32
    %lt3A_2 = arith.cmpi slt, %arg0, %lt3A : i32
    %convert_element_type3A_3 = arith.extui %lt3A_2 : i1 to i32
    %cond3A_4 = arith.constant 0 : i32
    %cond3A_5 = arith.cmpi ne, %convert_element_type3A_3, %cond3A_4 : i32
    scf.if %cond3A_5 {
      %get3A = arith.constant 0 : index
      %get3A_11 = arith.constant 0 : index
      %get3A_12 = vector.load %arg7[%get3A, %get3A_11] : memref<5000x256xf32, #tpu.memory_space<vmem>>, vector<5000x256xf32>
      %swap3A = arith.constant 0 : index
      %swap3A_13 = arith.constant 0 : index
      %swap3A_14 = vector.load %arg9[%swap3A, %swap3A_13] : memref<5000x256xf32, #tpu.memory_space<vmem>>, vector<5000x256xf32>
      tpu.vector_store %arg9[%swap3A, %swap3A_13], %get3A_12 {strides = array<i32>} : memref<5000x256xf32, #tpu.memory_space<vmem>>, vector<5000x256xf32>,
      %get3A_15 = arith.constant 0 : index
      %get3A_16 = arith.constant 0 : index
      %get3A_17 = vector.load %arg10[%get3A_15, %get3A_16] : memref<1x256xf32, #tpu.memory_space<vmem>>, vector<1x256xf32>
      %sub3A = vector.broadcast %get3A_17 : vector<1x256xf32> to vector<5000x256xf32>
      %sub3A_18 = arith.subf %get3A_12, %sub3A : vector<5000x256xf32>
      %abs3A = math.absf %sub3A_18 : vector<5000x256xf32>
      %reduce_sum3A = arith.constant dense<0.000000e+00> : vector<5000xf32>
      %reduce_sum3A_19 = vector.multi_reduction <add>, %abs3A, %reduce_sum3A [1] : vector<5000x256xf32> to vector<5000xf32>
      %get3A_20 = arith.constant 0 : index
      %get3A_21 = memref.load %arg11[%get3A_20] : memref<1xf32, #tpu.memory_space<smem>>
      %reduce_min3A = vector.shape_cast %reduce_sum3A_19 : vector<5000xf32> to vector<1x5000xf32>
      %reduce_min3A_22 = arith.constant dense<0x7F800000> : vector<1xf32>
      %reduce_min3A_23 = vector.multi_reduction <minimumf>, %reduce_min3A, %reduce_min3A_22 [1] : vector<1x5000xf32> to vector<1xf32>
      %reduce_min3A_24 = vector.shape_cast %reduce_min3A_23 : vector<1xf32> to vector<1x1xf32>
      %reduce_min3A_25 = vector.extract %reduce_min3A_24[0, 0] : f32 from vector<1x1xf32>
      %min3A = arith.minimumf %get3A_21, %reduce_min3A_25 : f32
      %swap3A_26 = arith.constant 0 : index
      %swap3A_27 = memref.load %arg11[%swap3A_26] : memref<1xf32, #tpu.memory_space<smem>>
      memref.store %min3A, %arg11[%swap3A_26] : memref<1xf32, #tpu.memory_space<smem>>
    } else {
    }
    %eq3A_6 = arith.constant 20 : i32
    %eq3A_7 = arith.cmpi eq, %arg0, %eq3A_6 : i32
    %convert_element_type3A_8 = arith.extui %eq3A_7 : i1 to i32
    %cond3A_9 = arith.constant 0 : i32
    %cond3A_10 = arith.cmpi ne, %convert_element_type3A_8, %cond3A_9 : i32
    scf.if %cond3A_10 {
      %get3A = arith.constant 0 : index
      %get3A_11 = memref.load %arg11[%get3A] : memref<1xf32, #tpu.memory_space<smem>>
      %broadcast_in_dim3A = vector.broadcast %get3A_11 : f32 to vector<1x1xf32>
      %swap3A = arith.constant 0 : index
      %swap3A_12 = arith.constant 0 : index
      %swap3A_13 = vector.load %arg8[%swap3A, %swap3A_12] : memref<1x1xf32, #tpu.memory_space<vmem>>, vector<1x1xf32>
      tpu.vector_store %arg8[%swap3A, %swap3A_12], %broadcast_in_dim3A {strides = array<i32>} : memref<1x1xf32, #tpu.memory_space<vmem>>, vector<1x1xf32>,
      %le3A = arith.constant 2.000000e+03 : f32
      %le3A_14 = arith.cmpf ole, %get3A_11, %le3A : f32
      %get3A_15 = arith.constant 0 : index
      %get3A_16 = memref.load %arg1[%get3A_15] : memref<1xi32, #tpu.memory_space<smem>>
      %jit3A = arith.constant 5000 : i32
      %eq3A_17 = arith.constant 0 : i32
      %eq3A_18 = arith.cmpi eq, %jit3A, %eq3A_17 : i32
      %jit3A_19 = arith.constant 1 : i32
      %select_n3A = arith.select %eq3A_18, %jit3A_19, %jit3A : i32
      %rem3A = arith.remsi %get3A_16, %select_n3A : i32
      %ne3A = arith.constant 0 : i32
      %ne3A_20 = arith.cmpi ne, %rem3A, %ne3A : i32
      %lt3A_21 = arith.constant 0 : i32
      %lt3A_22 = arith.cmpi slt, %rem3A, %lt3A_21 : i32
      %lt3A_23 = arith.constant 0 : i32
      %lt3A_24 = arith.cmpi slt, %select_n3A, %lt3A_23 : i32
      %ne3A_25 = arith.xori %lt3A_22, %lt3A_24 : i1
      %and3A = arith.andi %ne3A_25, %ne3A_20 : i1
      %add3A = arith.addi %rem3A, %select_n3A : i32
      %select_n3A_26 = arith.select %and3A, %add3A, %rem3A : i32
      %iota3A = tpu.iota {dimensions = array<i32: 0>} : vector<5000x1xi32>
      %eq3A_27 = vector.broadcast %select_n3A_26 : i32 to vector<5000x1xi32>
      %eq3A_28 = arith.cmpi eq, %iota3A, %eq3A_27 : vector<5000x1xi32>
      %and3A_29 = vector.broadcast %le3A_14 : i1 to vector<5000x1xi1>
      %and3A_30 = arith.andi %and3A_29, %eq3A_28 : vector<5000x1xi1>
      %get3A_31 = arith.constant 0 : index
      %get3A_32 = arith.constant 0 : index
      %get3A_33 = vector.load %arg10[%get3A_31, %get3A_32] : memref<1x256xf32, #tpu.memory_space<vmem>>, vector<1x256xf32>
      %get3A_34 = arith.constant 0 : index
      %get3A_35 = arith.constant 0 : index
      %get3A_36 = vector.load %arg7[%get3A_34, %get3A_35] : memref<5000x256xf32, #tpu.memory_space<vmem>>, vector<5000x256xf32>
      %broadcast_in_dim3A_37 = vector.shape_cast %and3A_30 : vector<5000x1xi1> to vector<5000x1xi1>
      %broadcast_in_dim3A_38 = vector.broadcast %broadcast_in_dim3A_37 : vector<5000x1xi1> to vector<5000x256xi1>
      %broadcast_in_dim3A_39 = vector.shape_cast %get3A_33 : vector<1x256xf32> to vector<1x256xf32>
      %broadcast_in_dim3A_40 = vector.broadcast %broadcast_in_dim3A_39 : vector<1x256xf32> to vector<5000x256xf32>
      %select_n3A_41 = arith.select %broadcast_in_dim3A_38, %broadcast_in_dim3A_40, %get3A_36 : vector<5000x256xi1>, vector<5000x256xf32>
      %swap3A_42 = arith.constant 0 : index
      %swap3A_43 = arith.constant 0 : index
      %swap3A_44 = vector.load %arg9[%swap3A_42, %swap3A_43] : memref<5000x256xf32, #tpu.memory_space<vmem>>, vector<5000x256xf32>
      tpu.vector_store %arg9[%swap3A_42, %swap3A_43], %select_n3A_41 {strides = array<i32>} : memref<5000x256xf32, #tpu.memory_space<vmem>>, vector<5000x256xf32>,
    } else {
    }
    return
  }
  func.func @transform_0(%arg0: i32, %arg1: memref<1xi32, #tpu.memory_space<smem>>) -> (i32, i32) {
    %c0_i32 = arith.constant 0 : i32
    %c0_i32_0 = arith.constant 0 : i32
    %c0_i32_1 = arith.constant 0 : i32
    return %c0_i32, %c0_i32_0 : i32, i32
  }
  func.func @transform_1(%arg0: i32, %arg1: memref<1xi32, #tpu.memory_space<smem>>) -> (i32, i32) {
    %c0_i32 = arith.constant 0 : i32
    %c0_i32_0 = arith.constant 0 : i32
    %c0_i32_1 = arith.constant 0 : i32
    return %c0_i32, %c0_i32_0 : i32, i32
  }
  func.func @transform_2(%arg0: i32, %arg1: memref<1xi32, #tpu.memory_space<smem>>) -> (i32, i32) {
    %c0_i32 = arith.constant 0 : i32
    %c0_i32_0 = arith.constant 0 : i32
    %c0_i32_1 = arith.constant 0 : i32
    return %c0_i32, %c0_i32_0 : i32, i32
  }
  func.func @transform_3(%arg0: i32, %arg1: memref<1xi32, #tpu.memory_space<smem>>) -> (i32, i32) {
    %c0_i32 = arith.constant 0 : i32
    %c0_i32_0 = arith.constant 0 : i32
    %c0_i32_1 = arith.constant 0 : i32
    return %c0_i32, %c0_i32_0 : i32, i32
  }
  func.func @transform_4(%arg0: i32, %arg1: memref<1xi32, #tpu.memory_space<smem>>) -> (i32, i32) {
    %c0_i32 = arith.constant 0 : i32
    %c0_i32_0 = arith.constant 0 : i32
    %c0_i32_1 = arith.constant 0 : i32
    return %c0_i32, %c0_i32_0 : i32, i32
  }
  func.func @transform_5(%arg0: i32, %arg1: memref<1xi32, #tpu.memory_space<smem>>) -> (i32, i32) {
    %lt3A = arith.constant 20 : i32
    %lt3A_0 = arith.cmpi slt, %arg0, %lt3A : i32
    %get3A = arith.constant 0 : index
    %get3A_1 = memref.load %arg1[%get3A] : memref<1xi32, #tpu.memory_space<smem>>
    %jit3A = arith.constant 5000 : i32
    %div3A = arith.divsi %get3A_1, %jit3A : i32
    %sign3A = arith.constant 0 : i32
    %sign3A_2 = arith.cmpi sgt, %get3A_1, %sign3A : i32
    %sign3A_3 = arith.extui %sign3A_2 : i1 to i32
    %sign3A_4 = arith.constant 0 : i32
    %sign3A_5 = arith.cmpi slt, %get3A_1, %sign3A_4 : i32
    %sign3A_6 = arith.extui %sign3A_5 : i1 to i32
    %sign3A_7 = arith.subi %sign3A_3, %sign3A_6 : i32
    %sign3A_8 = arith.constant 0 : i32
    %sign3A_9 = arith.cmpi sgt, %jit3A, %sign3A_8 : i32
    %sign3A_10 = arith.extui %sign3A_9 : i1 to i32
    %sign3A_11 = arith.constant 0 : i32
    %sign3A_12 = arith.cmpi slt, %jit3A, %sign3A_11 : i32
    %sign3A_13 = arith.extui %sign3A_12 : i1 to i32
    %sign3A_14 = arith.subi %sign3A_10, %sign3A_13 : i32
    %ne3A = arith.cmpi ne, %sign3A_7, %sign3A_14 : i32
    %rem3A = arith.remsi %get3A_1, %jit3A : i32
    %ne3A_15 = arith.constant 0 : i32
    %ne3A_16 = arith.cmpi ne, %rem3A, %ne3A_15 : i32
    %and3A = arith.andi %ne3A, %ne3A_16 : i1
    %sub3A = arith.constant 1 : i32
    %sub3A_17 = arith.subi %div3A, %sub3A : i32
    %select_n3A = arith.select %and3A, %sub3A_17, %div3A : i32
    %select_n3A_18 = arith.select %lt3A_0, %arg0, %select_n3A : i32
    %c0_i32 = arith.constant 0 : i32
    %c0_i32_19 = arith.constant 0 : i32
    return %select_n3A_18, %c0_i32 : i32, i32
  }
  func.func @transform_6(%arg0: i32, %arg1: memref<1xi32, #tpu.memory_space<smem>>) -> (i32, i32) {
    %c0_i32 = arith.constant 0 : i32
    %c0_i32_0 = arith.constant 0 : i32
    %c0_i32_1 = arith.constant 0 : i32
    return %c0_i32, %c0_i32_0 : i32, i32
  }
  func.func @transform_7(%arg0: i32, %arg1: memref<1xi32, #tpu.memory_space<smem>>) -> (i32, i32) {
    %lt3A = arith.constant 20 : i32
    %lt3A_0 = arith.cmpi slt, %arg0, %lt3A : i32
    %get3A = arith.constant 0 : index
    %get3A_1 = memref.load %arg1[%get3A] : memref<1xi32, #tpu.memory_space<smem>>
    %jit3A = arith.constant 5000 : i32
    %div3A = arith.divsi %get3A_1, %jit3A : i32
    %sign3A = arith.constant 0 : i32
    %sign3A_2 = arith.cmpi sgt, %get3A_1, %sign3A : i32
    %sign3A_3 = arith.extui %sign3A_2 : i1 to i32
    %sign3A_4 = arith.constant 0 : i32
    %sign3A_5 = arith.cmpi slt, %get3A_1, %sign3A_4 : i32
    %sign3A_6 = arith.extui %sign3A_5 : i1 to i32
    %sign3A_7 = arith.subi %sign3A_3, %sign3A_6 : i32
    %sign3A_8 = arith.constant 0 : i32
    %sign3A_9 = arith.cmpi sgt, %jit3A, %sign3A_8 : i32
    %sign3A_10 = arith.extui %sign3A_9 : i1 to i32
    %sign3A_11 = arith.constant 0 : i32
    %sign3A_12 = arith.cmpi slt, %jit3A, %sign3A_11 : i32
    %sign3A_13 = arith.extui %sign3A_12 : i1 to i32
    %sign3A_14 = arith.subi %sign3A_10, %sign3A_13 : i32
    %ne3A = arith.cmpi ne, %sign3A_7, %sign3A_14 : i32
    %rem3A = arith.remsi %get3A_1, %jit3A : i32
    %ne3A_15 = arith.constant 0 : i32
    %ne3A_16 = arith.cmpi ne, %rem3A, %ne3A_15 : i32
    %and3A = arith.andi %ne3A, %ne3A_16 : i1
    %sub3A = arith.constant 1 : i32
    %sub3A_17 = arith.subi %div3A, %sub3A : i32
    %select_n3A = arith.select %and3A, %sub3A_17, %div3A : i32
    %select_n3A_18 = arith.select %lt3A_0, %arg0, %select_n3A : i32
    %c0_i32 = arith.constant 0 : i32
    %c0_i32_19 = arith.constant 0 : i32
    return %select_n3A_18, %c0_i32 : i32, i32
  }
}

</mosaic_0001>

<sc_bundles>
// kernel: kernel.5.cloned.1.call-start
scs
__scs_entry_jumppad:
0x0: {  	(pc) =	sbr.rel $0x88, $3  }
0x1: {  	(tag) =	ssettag $0x0;
	lr =	simm.s32 $0x1  }
0x2: {  	[smem:$0x3F99] =	sst lr;
	_ =	strace $0xD0000000  }
0x3: {  	_ = 	snop  }
0x4: {  	_ = 	snop  }
0x5: {  	_ = 	snop  }
0x6: {  	_ = 	snop  }
0x7: {  	_ = 	snop  }
__scs_overlays_trampoline_lowered:
0x8: {  	[smem:$0x3FA8] =	sst s0  }
0x9: {  	[smem:$0x3FA9] =	sst s1  }
0xa: {  	[smem:$0x3FAA] =	sst s2  }
0xb: {  	[smem:$0x3FAB] =	sst s3  }
0xc: {  	[smem:$0x3FAC] =	sst s4  }
0xd: {  	[smem:$0x3FAD] =	sst s5  }
0xe: {  	[smem:$0x3FAE] =	sst s6  }
0xf: {  	[smem:$0x3FAF] =	sst s7  }
0x10: {  	[smem:$0x3FB0] =	sst s8  }
0x11: {  	[smem:$0x3FB1] =	sst s9;
	s0 =	simm.s32 @!p0 $0x0  }
0x12: {  	s1 =	sld [smem:$0x3F97];
	s0 =	simm.s32 @p0 $0x1  }
0x13: {  	[smem:$0x3FB2] =	sst s0;
	s0 =	simm.s32 @!p1 $0x0  }
0x14: {  	s2 =	sld [smem:$0x3F96];
	s0 =	simm.s32 @p1 $0x1  }
0x15: {  	[smem:$0x3FB3] =	sst s0;
	s0 =	simm.s32 @!p2 $0x0  }
0x16: {  	s3 =	sld [smem:$0x3FDB];
	s0 =	simm.s32 @p2 $0x1  }
0x17: {  	s4 =	simm.s32 $0x1BF5;
	[smem:$0x3FB5] =	sst s0  }
0x18: {  	s0 =	sld [smem:$0x3F98];
	_ =	swait.ge [sflag:s4], $0x0  }
0x19: {  	s7 =	sld [smem:$0x3F99]  }
0x1a: {  	s8 =	sadd.s32 $0xFFFFE003, lr  }
0x1b: {  	s9 =	sadd.s32 $0xFFFFFEF7, lr;
	s5 =	simm.s32 $0xFFFFFFFF;
	p2 =	slt.u32 s8, $0xFFFFF086  }
0x1c: {  	p1 =	slt.u32 s9, $0xF7A;
	s5 =	simm.s32 @!p2 $0x0  }
0x1d: {  	s5 =	simm.s32 @p1 $0x1;
	p0 =	seq.s32 s7, s2  }
0x1e: {  	s7 =	smul.u32 @!p0 $0xF7A, s2;
	p2 =	seq.s32 @!p0 s5, $0x0  }
0x1f: {  	s9 =	smul.u32 $0xF7A, s1;
	s8 =	simm.s32 @!p0 $0x1BF5;
	p2 =	por !p2, p0  }
0x20: {  	[sflag:s8] =	ssyncset.s32 @!p0 $0xFFFFF086;
	s6 =	sadd.s32 @!p0 s3, s7;
	s7 =	simm.s32 @!p0 $0x108  }
0x21: {  	s3 =	sadd.s32 s3, s9;
	s6 =	sadd.s32 @!p0 $0x88, s6;
	s7 =	simm.s32 @p2 $0x1082  }
0x22: {  	[simem:s7], [sflag:s8] =	dma.local @!p0 [hbm:s6], $0xF7A  }
0x23: {  	s9 =	sor.u32 $0xD0000000, s2;
	s6 =	simm.s32 $0x108;
	_ =	swait.ge @!p0 [sflag:s8], $0x0  }
0x24: {  	s3 =	sadd.s32 $0x88, s3;
	s6 =	simm.s32 @!p1 $0x1082;
	[sflag:s4] =	ssyncset.s32 $0xFFFFF086  }
0x25: {  	[simem:s6], [sflag:s4] =	dma.local [hbm:s3], $0xF7A  }
0x26: {  	[smem:$0x3F99] =	sst s1;
	(tag) =	ssettag s2;
	_ =	strace s9  }
0x27: {  	s1 =	sld [smem:$0x3FA9]  }
0x28: {  	s2 =	sld [smem:$0x3FAA]  }
0x29: {  	s4 =	sld [smem:$0x3FAC]  }
0x2a: {  	p0 =	seq.s32 s5, $0x0;
	s5 =	sld [smem:$0x3FAD]  }
0x2b: {  	s6 =	sld [smem:$0x3FAE]  }
0x2c: {  	s7 =	sld [smem:$0x3FAF]  }
0x2d: {  	s3 =	simm.s32 $0x108;
	s8 =	sld [smem:$0x3FB0]  }
0x2e: {  	s3 =	simm.s32 @!p0 $0x1082;
	s9 =	sld [smem:$0x3FB1]  }
0x2f: {  	lr =	sadd.s32 s0, s3;
	s0 =	sld [smem:$0x3FA8]  }
0x30: {  	s3 =	sld [smem:$0x3FAB]  }
0x31: {  	[smem:$0x3FB4] =	sst s10  }
0x32: {  	s10 =	sld [smem:$0x3FB2];
	_ =	sdelay $0x3  }
0x33: {  	p0 =	seq.s32 s10, $0x1;
	s10 =	sld [smem:$0x3FB4];
	_ =	sdelay $0x3  }
0x34: {  	[smem:$0x3FB4] =	sst s10  }
0x35: {  	s10 =	sld [smem:$0x3FB3];
	_ =	sdelay $0x3  }
0x36: {  	p1 =	seq.s32 s10, $0x1;
	s10 =	sld [smem:$0x3FB4];
	_ =	sdelay $0x3  }
0x37: {  	[smem:$0x3FB4] =	sst s10  }
0x38: {  	s10 =	sld [smem:$0x3FB5]  }
0x39: {  	_ = 	snop;
	(pc) =	sbr.ind lr, $3  }
0x3a: {  	_ = 	snop  }
0x3b: {  	_ = 	snop  }
0x3c: {  	p2 =	seq.s32 s10, $0x1;
	s10 =	sld [smem:$0x3FB4]  }
0x3d: {  	_ =	shalt  }
0x3e: {  	_ =	shalt  }
0x3f: {  	_ =	shalt  }
0x40: {  	_ =	shalt  }
0x41: {  	_ =	shalt  }
0x42: {  	_ =	shalt  }
0x43: {  	_ =	shalt  }
0x44: {  	_ =	shalt  }
0x45: {  	_ =	shalt  }
0x46: {  	_ =	shalt  }
0x47: {  	_ =	shalt  }
0x48: {  	_ =	shalt  }
0x49: {  	_ =	shalt  }
0x4a: {  	_ =	shalt  }
0x4b: {  	_ =	shalt  }
0x4c: {  	_ =	shalt  }
0x4d: {  	_ =	shalt  }
0x4e: {  	_ =	shalt  }
0x4f: {  	_ =	shalt  }
0x50: {  	_ =	shalt  }
0x51: {  	_ =	shalt  }
0x52: {  	_ =	shalt  }
0x53: {  	_ =	shalt  }
0x54: {  	_ =	shalt  }
0x55: {  	_ =	shalt  }
0x56: {  	_ =	shalt  }
0x57: {  	_ =	shalt  }
0x58: {  	_ =	shalt  }
0x59: {  	_ =	shalt  }
0x5a: {  	_ =	shalt  }
0x5b: {  	_ =	shalt  }
0x5c: {  	_ =	shalt  }
0x5d: {  	_ =	shalt  }
0x5e: {  	_ =	shalt  }
0x5f: {  	_ =	shalt  }
0x60: {  	_ =	shalt  }
0x61: {  	_ =	shalt  }
0x62: {  	_ =	shalt  }
0x63: {  	_ =	shalt  }
0x64: {  	_ =	shalt  }
0x65: {  	_ =	shalt  }
0x66: {  	_ =	shalt  }
0x67: {  	_ =	shalt  }
0x68: {  	_ =	shalt  }
0x69: {  	_ =	shalt  }
0x6a: {  	_ =	shalt  }
0x6b: {  	_ =	shalt  }
0x6c: {  	_ =	shalt  }
0x6d: {  	_ =	shalt  }
0x6e: {  	_ =	shalt  }
0x6f: {  	_ =	shalt  }
0x70: {  	_ =	shalt  }
0x71: {  	_ =	shalt  }
0x72: {  	_ =	shalt  }
0x73: {  	_ =	shalt  }
0x74: {  	_ =	shalt  }
0x75: {  	_ =	shalt  }
0x76: {  	_ =	shalt  }
0x77: {  	_ =	shalt  }
0x78: {  	_ =	shalt  }
0x79: {  	_ =	shalt  }
0x7a: {  	_ =	shalt  }
0x7b: {  	_ =	shalt  }
0x7c: {  	_ =	shalt  }
0x7d: {  	_ =	shalt  }
0x7e: {  	_ =	shalt  }
0x7f: {  	_ =	shalt  }
0x80: {  	_ =	shalt  }
0x81: {  	_ =	shalt  }
0x82: {  	_ =	shalt  }
0x83: {  	_ =	shalt  }
0x84: {  	_ =	shalt  }
0x85: {  	_ =	shalt  }
0x86: {  	_ =	shalt  }
0x87: {  	_ =	shalt  }
.Lfunc_end0:
.L_simem_size_0:
called_computation_lowered:
.L_overlay_start_0:
0x88: {  	s2 =	sld [smem:$0x3FD9]  }
0x89: {  	s3 =	sld [smem:$0x3FFE];
	_ =	sdelay $0x1  }
0x8a: {  	s1 =	srdreg.scid  }
0x8b: {  	s0 =	sand.u32 $0x1, s1  }
0x8c: {  	s15 =	sshll.u32 s0, $0xA;
	s2 =	sadd.s32 s3, s2  }
0x8d: {  	s2 =	sadd.s32 s2, s15  }
0x8e: {  	[smem:$0x3FC0] =	sst s2  }
0x8f: {  	_ = 	snop  }
0x90: {  	s2 =	sld [smem:$0x3FD0];
	_ =	sdelay $0x2  }
0x91: {  	s4 =	simm.s32 $0xA;
	s5 =	simm.s32 $0x10;
	s16 =	sld [smem:$0x3FC3]  }
0x92: {  	[smem:s5], [sflag:s4] =	dma.local [hbm:s2], $0x1  }
0x93: {  	_ =	swait.eq [sflag:s4], $0x1  }
0x94: {  	[sflag:s4] =	ssyncset.done $0x0  }
0x95: {  	[sflag:s4] =	ssyncadd.s32 $0xFFFFFFFF  }
0x96: {  	s17 =	sld [smem:$0x12];
	(tm) =	ssettm $0x1  }
0x97: {  	s18 =	sld [smem:$0x3FFB];
	_ =	sdelay $0x3  }
0x98: {  	_ =	strace s18  }
0x99: {  	s4 =	sld [smem:$0x3FFC];
	_ =	sdelay $0x3  }
0x9a: {  	_ =	strace s4  }
0x9b: {  	s4 =	sld [smem:$0x3FFD];
	_ =	sdelay $0x3  }
0x9c: {  	_ =	strace s4  }
0x9d: {  	_ =	strace $0x8FFFFFFF  }
0x9e: {  	s19 =	sld [smem:$0x3FDB];
	_ =	sdelay $0x1  }
0x9f: {  	s20 =	simm.s32 $_scs_section_size  }
0xa0: {  	s6 =	simm.s32 $_size__tile_overlayer_lowered;
	s7 =	simm.s32 $_tile_overlayer_lowered  }
0xa1: {  	s23 =	simm.s32 $0x1BFF;
	s22 =	sshll.u32 s7, $0x1;
	s4 =	sadd.s32 s20, s19  }
0xa2: {  	s8 =	simm.s32 $0x0;
	s21 =	sshll.u32 s6, $0x1;
	s6 =	sadd.s32 s22, s4  }
0xa3: {  	[timem:s8], [sflag:s23] =	dma.local [hbm:s6], s21  }
0xa4: {  	_ =	swait.ge [sflag:s23], s21  }
0xa5: {  	s5 =	ssub.s32 $0x0, s21;
	[sflag:s23] =	ssyncset.done $0x0  }
0xa6: {  	[sflag:s23] =	ssyncadd.s32 s5;
	_ =	sdelay $0x1  }
0xa7: {  	s24 =	simm.s32 $0x1B8B  }
0xa8: {  	_ =	swait.ge [sflag:s24], $0x1  }
0xa9: {  	[sflag:s24] =	ssyncset.done $0x0  }
0xaa: {  	s25 =	simm.s32 $0x1B8E;
	[sflag:s24] =	ssyncadd.s32 $0xFFFFFFFF  }
0xab: {  	s26 =	simm.s32 $execute0_lowered;
	[smem:$0x3FD2] =	sst s25  }
0xac: {  	s5 =	sshll.u32 s26, $0x1;
	_ =	strace $0x80000046;
	[dreg:$0x1] =	wrdreg $0xFFFFFFFF  }
0xad: {  	s28 =	simm.s32 $_size_execute0_lowered;
	s4 =	sadd.s32 s4, s5;
	[dreg:$0x0] =	wrdreg $0x0  }
0xae: {  	s5 =	sshll.u32 s28, $0x1;
	[dreg:$0x2] =	wrdreg s4  }
0xaf: {  	[dreg:$0x3] =	wrdreg s5  }
0xb0: {  	[dreg:$0x4] =	wrdreg $0xC0  }
0xb1: {  	_ =	task [dreg:s8], $0x5FFFF  }
0xb2: {  	[dreg:$0x1] =	wrdreg $0xFFFFFFFF  }
0xb3: {  	[dreg:$0x0] =	wrdreg $0x60  }
0xb4: {  	[dreg:$0x2] =	wrdreg s16  }
0xb5: {  	[dreg:$0x3] =	wrdreg s17  }
0xb6: {  	[dreg:$0x4] =	wrdreg $0x9  }
0xb7: {  	_ =	task.clear_ibuf [dreg:s8], $0x5FFFF;
	_ =	strace $0x90000046  }
0xb8: {  	s29 =	simm.s32 $0x9;
	_ =	strace $0x80000048  }
0xb9: {  	_ =	swait.ge [sflag:s29], $0x1  }
0xba: {  	[sflag:s29] =	ssyncadd.s32 $0xFFFFFFFF  }
0xbb: {  	_ =	strace $0x90000048  }
0xbc: {  	_ =	sfence  }
0xbd: {  	s30 =	sld [smem:$0x0];
	_ =	sdelay $0x2  }
0xbe: {  	s31 =	sshll.u32 s1, $0xD;
	s1 =	sshrl.u32 s1, $0x2  }
0xbf: {  	s3 =	sand.u32 $0x4000, s31;
	s1 =	sadd.s32 s1, s30  }
0xc0: {  	s0 =	sor.u32 s3, s0;
	s1 =	sshll.u32 s1, $0x11  }
0xc1: {  	s0 =	sor.u32 s1, s0  }
0xc2: {  	s0 =	sadd.s32 $0x8F2B, s0  }
0xc3: {  	[sflag:s0] =	ssyncadd.remote.s32 $0x1  }
0xc4: {  	_ =	sfence.sel $0xFFFF  }
0xc5: {  	[dreg:$0x0] =	wrdreg $0xFFFFFFFF;
	(pc) =	sbr.abs _section_cstart, $3  }
0xc6: {  	[dreg:$0x1] =	wrdreg $0xFFFFFFFF  }
0xc7: {  	_ =	task.clear_ibuf [dreg:s8], $0x2FFFF;
	_ =	strace $0x9FFFFFFF  }
0xc8: {  	(tm) =	ssettm $0x7FFFFFFF  }
0xc9: {  	_ =	shalt  }
tec
execute0_lowered:
.L_overlay_start_1:
0x0: {  	(tag) =	ssettag $0x1  }
0x1: {  	s0 =	srdreg.scid  }
0x2: {  	s25 =	sand.u32 $0x1, s0  }
0x3: {  	s0 =	stileid.u32;
	s1 =	sshll.u32 s25, $0x4  }
0x4: {  	s24 =	rddreg [dreg:$0x0];
	s26 =	sor.u32 s0, s1  }
0x5: {  	s28 =	rddreg [dreg:$0x1];
	s2 =	simm.s32 $0x0;
	s3 =	smul.u32 $0x61800, s26  }
0x6: {  	[smem:$0x7FF] =	sst s2;
	s7 =	smul.u32 $0xC300, s26  }
0x7: {  	s1 =	rddreg [dreg:$0x2];
	s21 =	sshrl.u32 s3, $0x3  }
0x8: {  	_ =	strace $0x80000047;
	s3 =	sadd.s32 s24, s7;
	s11 =	sadd.s32 $0x1900, s21  }
0x9: {  	[tilespmem:s2], [sflag:$0x1] =	stream.linear.gather [hbm4b:s3+s2], $0xC800, $0x38;
	[tilespmem:$0x19000] =	vst v63  }
0xa: {  	s5 =	simm.s32 $0xC800;
	s6 =	simm.s32 $0x1;
	s4 =	sadd.s32 s24, s11  }
0xb: {  	[tilespmem:s5], [sflag:$0x2] =	stream.linear.gather [hbm4b:s4+s2], $0xC800, $0x38;
	[tilespmem:$0x19000] =	vst v63  }
0xc: {  	_ =	swait.ge [sflag:s6], $0xC800  }
0xd: {  	[sflag:s6] =	ssyncset.done $0x0  }
0xe: {  	s8 =	simm.s32 $0x3;
	s7 =	sadd.s32 s28, s7;
	[sflag:s6] =	ssyncadd.s32 $0xFFFF3800  }
0xf: {  	[hbm4b:s7+s2] =	stream.linear.scatter [tilespmem:s2], [sflag:$0x3], $0xC800, $0x38;
	[tilespmem:$0x19000] =	vst v63  }
0x10: {  	_ =	swait.ge [sflag:s8], $0xC800  }
0x11: {  	s14 =	sadd.s32 $0x3200, s21;
	[sflag:s8] =	ssyncset.done $0x0  }
0x12: {  	s10 =	simm.s32 $0x2;
	s9 =	sadd.s32 s24, s14;
	[sflag:s8] =	ssyncadd.s32 $0xFFFF3800  }
0x13: {  	[tilespmem:s2], [sflag:$0x1] =	stream.linear.gather [hbm4b:s9+s2], $0xC800, $0x38;
	[tilespmem:$0x19000] =	vst v63  }
0x14: {  	_ =	swait.ge [sflag:s10], $0xC800  }
0x15: {  	[sflag:s10] =	ssyncset.done $0x0  }
0x16: {  	s12 =	simm.s32 $0x4;
	s11 =	sadd.s32 s28, s11;
	[sflag:s10] =	ssyncadd.s32 $0xFFFF3800  }
0x17: {  	[hbm4b:s11+s2] =	stream.linear.scatter [tilespmem:s5], [sflag:$0x4], $0xC800, $0x38;
	[tilespmem:$0x19000] =	vst v63  }
0x18: {  	_ =	swait.ge [sflag:s12], $0xC800  }
0x19: {  	s16 =	sadd.s32 $0x4B00, s21;
	[sflag:s12] =	ssyncset.done $0x0  }
0x1a: {  	s13 =	sadd.s32 s24, s16;
	[sflag:s12] =	ssyncadd.s32 $0xFFFF3800  }
0x1b: {  	[tilespmem:s5], [sflag:$0x2] =	stream.linear.gather [hbm4b:s13+s2], $0xC800, $0x38;
	[tilespmem:$0x19000] =	vst v63  }
0x1c: {  	_ =	swait.ge [sflag:s6], $0xC800  }
0x1d: {  	[sflag:s6] =	ssyncset.done $0x0  }
0x1e: {  	s14 =	sadd.s32 s28, s14;
	[sflag:s6] =	ssyncadd.s32 $0xFFFF3800  }
0x1f: {  	[hbm4b:s14+s2] =	stream.linear.scatter [tilespmem:s2], [sflag:$0x3], $0xC800, $0x38;
	[tilespmem:$0x19000] =	vst v63  }
0x20: {  	_ =	swait.ge [sflag:s8], $0xC800  }
0x21: {  	s18 =	sadd.s32 $0x6400, s21;
	[sflag:s8] =	ssyncset.done $0x0  }
0x22: {  	s15 =	sadd.s32 s24, s18;
	[sflag:s8] =	ssyncadd.s32 $0xFFFF3800  }
0x23: {  	[tilespmem:s2], [sflag:$0x1] =	stream.linear.gather [hbm4b:s15+s2], $0xC800, $0x38;
	[tilespmem:$0x19000] =	vst v63  }
0x24: {  	_ =	swait.ge [sflag:s10], $0xC800  }
0x25: {  	[sflag:s10] =	ssyncset.done $0x0  }
0x26: {  	s16 =	sadd.s32 s28, s16;
	[sflag:s10] =	ssyncadd.s32 $0xFFFF3800  }
0x27: {  	[hbm4b:s16+s2] =	stream.linear.scatter [tilespmem:s5], [sflag:$0x4], $0xC800, $0x38;
	[tilespmem:$0x19000] =	vst v63  }
0x28: {  	_ =	swait.ge [sflag:s12], $0xC800  }
0x29: {  	s20 =	sadd.s32 $0x7D00, s21;
	[sflag:s12] =	ssyncset.done $0x0  }
0x2a: {  	s17 =	sadd.s32 s24, s20;
	[sflag:s12] =	ssyncadd.s32 $0xFFFF3800  }
0x2b: {  	[tilespmem:s5], [sflag:$0x2] =	stream.linear.gather [hbm4b:s17+s2], $0xC800, $0x38;
	[tilespmem:$0x19000] =	vst v63  }
0x2c: {  	_ =	swait.ge [sflag:s6], $0xC800  }
0x2d: {  	[sflag:s6] =	ssyncset.done $0x0  }
0x2e: {  	s18 =	sadd.s32 s28, s18;
	[sflag:s6] =	ssyncadd.s32 $0xFFFF3800  }
0x2f: {  	[hbm4b:s18+s2] =	stream.linear.scatter [tilespmem:s2], [sflag:$0x3], $0xC800, $0x38;
	[tilespmem:$0x19000] =	vst v63  }
0x30: {  	_ =	swait.ge [sflag:s8], $0xC800  }
0x31: {  	s22 =	sadd.s32 $0x9600, s21;
	[sflag:s8] =	ssyncset.done $0x0  }
0x32: {  	s19 =	sadd.s32 s24, s22;
	[sflag:s8] =	ssyncadd.s32 $0xFFFF3800  }
0x33: {  	[tilespmem:s2], [sflag:$0x1] =	stream.linear.gather [hbm4b:s19+s2], $0xC800, $0x38;
	[tilespmem:$0x19000] =	vst v63  }
0x34: {  	_ =	swait.ge [sflag:s10], $0xC800  }
0x35: {  	[sflag:s10] =	ssyncset.done $0x0  }
0x36: {  	s20 =	sadd.s32 s28, s20;
	[sflag:s10] =	ssyncadd.s32 $0xFFFF3800  }
0x37: {  	[hbm4b:s20+s2] =	stream.linear.scatter [tilespmem:s5], [sflag:$0x4], $0xC800, $0x38;
	[tilespmem:$0x19000] =	vst v63  }
0x38: {  	_ =	swait.ge [sflag:s12], $0xC800  }
0x39: {  	s23 =	sadd.s32 $0xAF00, s21;
	[sflag:s12] =	ssyncset.done $0x0  }
0x3a: {  	s21 =	sadd.s32 s24, s23;
	[sflag:s12] =	ssyncadd.s32 $0xFFFF3800  }
0x3b: {  	[tilespmem:s5], [sflag:$0x2] =	stream.linear.gather [hbm4b:s21+s2], $0xA000, $0x38;
	[tilespmem:$0x19000] =	vst v63  }
0x3c: {  	_ =	swait.ge [sflag:s6], $0xC800  }
0x3d: {  	[sflag:s6] =	ssyncset.done $0x0  }
0x3e: {  	s22 =	sadd.s32 s28, s22;
	[sflag:s6] =	ssyncadd.s32 $0xFFFF3800  }
0x3f: {  	[hbm4b:s22+s2] =	stream.linear.scatter [tilespmem:s2], [sflag:$0x3], $0xC800, $0x38;
	[tilespmem:$0x19000] =	vst v63  }
0x40: {  	_ =	swait.ge [sflag:s10], $0xA000  }
0x41: {  	[sflag:s10] =	ssyncset.done $0x0  }
0x42: {  	s23 =	sadd.s32 s28, s23;
	[sflag:s10] =	ssyncadd.s32 $0xFFFF6000  }
0x43: {  	[hbm4b:s23+s2] =	stream.linear.scatter [tilespmem:s5], [sflag:$0x4], $0xA000, $0x38;
	[tilespmem:$0x19000] =	vst v63  }
0x44: {  	s29 =	ssub.s32 $0x2, s25;
	_ =	swait.ge [sflag:s8], $0xC800  }
0x45: {  	s31 =	sshrl.u32 s29, $0x1;
	p0 =	sgt.u32 s26, $0x13;
	[sflag:s8] =	ssyncset.done $0x0  }
0x46: {  	s26 =	sshll.u32 s26, $0x7;
	s29 =	ssub.s32 s29, s31;
	[sflag:s8] =	ssyncadd.s32 $0xFFFF3800  }
0x47: {  	s30 =	sor.u32 $0x186000, s26;
	s26 =	simm.s32 @!p0 $0x0;
	_ =	swait.ge [sflag:s12], $0xA000  }
0x48: {  	s25 =	simm.s32 @!p0 $0x5;
	s29 =	smax.u32 s29, $0x1;
	[sflag:s12] =	ssyncset.done $0x0  }
0x49: {  	s29 =	sadd.s32 $0xFFFFFFFF, s29;
	s24 =	sadd.s32 s24, s30;
	[sflag:s12] =	ssyncadd.s32 $0xFFFF6000  }
0x4a: {  	[tilespmem:s26], [sflag:$0x5] =	stream.linear.gather @!p0 [hbm4b:s24+s26], $0x400, $0x38;
	[tilespmem:$0x19000] =	vst v63  }
0x4b: {  	p1 =	sne.s32 s29, $0x0;
	_ =	swait.ge @!p0 [sflag:s25], $0x400  }
.Ltmp0:
0x4c: {  	[sflag:s25] =	ssyncset.done @!p0 $0x0;
	(pc) =	sbr.rel @!p1 .LBB2_2-.Ltmp0, $4  }
0x4d: {  	s28 =	sadd.s32 s28, s30;
	[sflag:s25] =	ssyncadd.s32 @!p0 $0xFFFFFC00  }
0x4e: {  	[hbm4b:s28+s26] =	stream.linear.scatter @!p0 [tilespmem:s26], [sflag:$0x5], $0x400, $0x38;
	[tilespmem:$0x19000] =	vst v63  }
0x4f: {  	_ =	swait.ge @!p0 [sflag:s25], $0x400  }
0x50: {  	[sflag:s25] =	ssyncset.done @!p0 $0x0  }
.LBB2_1:
0x51: {  	s29 =	sadd.s32 $0xFFFFFFFF, s29;
	[sflag:s25] =	ssyncadd.s32 @!p0 $0xFFFFFC00  }
0x52: {  	[tilespmem:s2], [sflag:$0x1] =	stream.linear.gather [hbm4b:s3+s2], $0xC800, $0x38;
	[tilespmem:$0x19000] =	vst v63  }
0x53: {  	p1 =	sne.s32 s29, $0x0  }
0x54: {  	[tilespmem:s5], [sflag:$0x2] =	stream.linear.gather [hbm4b:s4+s2], $0xC800, $0x38;
	[tilespmem:$0x19000] =	vst v63  }
0x55: {  	_ =	swait.ge [sflag:s6], $0xC800  }
0x56: {  	[sflag:s6] =	ssyncset.done $0x0  }
0x57: {  	[sflag:s6] =	ssyncadd.s32 $0xFFFF3800  }
0x58: {  	[hbm4b:s7+s2] =	stream.linear.scatter [tilespmem:s2], [sflag:$0x3], $0xC800, $0x38;
	[tilespmem:$0x19000] =	vst v63  }
0x59: {  	_ =	swait.ge [sflag:s8], $0xC800  }
0x5a: {  	[sflag:s8] =	ssyncset.done $0x0  }
0x5b: {  	[sflag:s8] =	ssyncadd.s32 $0xFFFF3800  }
0x5c: {  	[tilespmem:s2], [sflag:$0x1] =	stream.linear.gather [hbm4b:s9+s2], $0xC800, $0x38;
	[tilespmem:$0x19000] =	vst v63  }
0x5d: {  	_ =	swait.ge [sflag:s10], $0xC800  }
0x5e: {  	[sflag:s10] =	ssyncset.done $0x0  }
0x5f: {  	[sflag:s10] =	ssyncadd.s32 $0xFFFF3800  }
0x60: {  	[hbm4b:s11+s2] =	stream.linear.scatter [tilespmem:s5], [sflag:$0x4], $0xC800, $0x38;
	[tilespmem:$0x19000] =	vst v63  }
0x61: {  	_ =	swait.ge [sflag:s12], $0xC800  }
0x62: {  	[sflag:s12] =	ssyncset.done $0x0  }
0x63: {  	[sflag:s12] =	ssyncadd.s32 $0xFFFF3800  }
0x64: {  	[tilespmem:s5], [sflag:$0x2] =	stream.linear.gather [hbm4b:s13+s2], $0xC800, $0x38;
	[tilespmem:$0x19000] =	vst v63  }
0x65: {  	_ =	swait.ge [sflag:s6], $0xC800  }
0x66: {  	[sflag:s6] =	ssyncset.done $0x0  }
0x67: {  	[sflag:s6] =	ssyncadd.s32 $0xFFFF3800  }
0x68: {  	[hbm4b:s14+s2] =	stream.linear.scatter [tilespmem:s2], [sflag:$0x3], $0xC800, $0x38;
	[tilespmem:$0x19000] =	vst v63  }
0x69: {  	_ =	swait.ge [sflag:s8], $0xC800  }
0x6a: {  	[sflag:s8] =	ssyncset.done $0x0  }
0x6b: {  	[sflag:s8] =	ssyncadd.s32 $0xFFFF3800  }
0x6c: {  	[tilespmem:s2], [sflag:$0x1] =	stream.linear.gather [hbm4b:s15+s2], $0xC800, $0x38;
	[tilespmem:$0x19000] =	vst v63  }
0x6d: {  	_ =	swait.ge [sflag:s10], $0xC800  }
0x6e: {  	[sflag:s10] =	ssyncset.done $0x0  }
0x6f: {  	[sflag:s10] =	ssyncadd.s32 $0xFFFF3800  }
0x70: {  	[hbm4b:s16+s2] =	stream.linear.scatter [tilespmem:s5], [sflag:$0x4], $0xC800, $0x38;
	[tilespmem:$0x19000] =	vst v63  }
0x71: {  	_ =	swait.ge [sflag:s12], $0xC800  }
0x72: {  	[sflag:s12] =	ssyncset.done $0x0  }
0x73: {  	[sflag:s12] =	ssyncadd.s32 $0xFFFF3800  }
0x74: {  	[tilespmem:s5], [sflag:$0x2] =	stream.linear.gather [hbm4b:s17+s2], $0xC800, $0x38;
	[tilespmem:$0x19000] =	vst v63  }
0x75: {  	_ =	swait.ge [sflag:s6], $0xC800  }
0x76: {  	[sflag:s6] =	ssyncset.done $0x0  }
0x77: {  	[sflag:s6] =	ssyncadd.s32 $0xFFFF3800  }
0x78: {  	[hbm4b:s18+s2] =	stream.linear.scatter [tilespmem:s2], [sflag:$0x3], $0xC800, $0x38;
	[tilespmem:$0x19000] =	vst v63  }
0x79: {  	_ =	swait.ge [sflag:s8], $0xC800  }
0x7a: {  	[sflag:s8] =	ssyncset.done $0x0  }
0x7b: {  	[sflag:s8] =	ssyncadd.s32 $0xFFFF3800  }
0x7c: {  	[tilespmem:s2], [sflag:$0x1] =	stream.linear.gather [hbm4b:s19+s2], $0xC800, $0x38;
	[tilespmem:$0x19000] =	vst v63  }
0x7d: {  	_ =	swait.ge [sflag:s10], $0xC800  }
0x7e: {  	[sflag:s10] =	ssyncset.done $0x0  }
0x7f: {  	[sflag:s10] =	ssyncadd.s32 $0xFFFF3800  }
0x80: {  	[hbm4b:s20+s2] =	stream.linear.scatter [tilespmem:s5], [sflag:$0x4], $0xC800, $0x38;
	[tilespmem:$0x19000] =	vst v63  }
0x81: {  	_ =	swait.ge [sflag:s12], $0xC800  }
0x82: {  	[sflag:s12] =	ssyncset.done $0x0  }
0x83: {  	[sflag:s12] =	ssyncadd.s32 $0xFFFF3800  }
0x84: {  	[tilespmem:s5], [sflag:$0x2] =	stream.linear.gather [hbm4b:s21+s2], $0xA000, $0x38;
	[tilespmem:$0x19000] =	vst v63  }
0x85: {  	_ =	swait.ge [sflag:s6], $0xC800  }
0x86: {  	[sflag:s6] =	ssyncset.done $0x0  }
0x87: {  	[sflag:s6] =	ssyncadd.s32 $0xFFFF3800  }
0x88: {  	[hbm4b:s22+s2] =	stream.linear.scatter [tilespmem:s2], [sflag:$0x3], $0xC800, $0x38;
	[tilespmem:$0x19000] =	vst v63  }
0x89: {  	_ =	swait.ge [sflag:s10], $0xA000  }
0x8a: {  	[sflag:s10] =	ssyncset.done $0x0  }
0x8b: {  	[sflag:s10] =	ssyncadd.s32 $0xFFFF6000  }
0x8c: {  	[hbm4b:s23+s2] =	stream.linear.scatter [tilespmem:s5], [sflag:$0x4], $0xA000, $0x38;
	[tilespmem:$0x19000] =	vst v63  }
0x8d: {  	_ =	swait.ge [sflag:s8], $0xC800  }
0x8e: {  	[sflag:s8] =	ssyncset.done $0x0  }
0x8f: {  	[sflag:s8] =	ssyncadd.s32 $0xFFFF3800  }
0x90: {  	_ =	swait.ge [sflag:s12], $0xA000  }
0x91: {  	[sflag:s12] =	ssyncset.done $0x0  }
0x92: {  	[sflag:s12] =	ssyncadd.s32 $0xFFFF6000  }
0x93: {  	[tilespmem:s26], [sflag:$0x5] =	stream.linear.gather @!p0 [hbm4b:s24+s26], $0x400, $0x38;
	[tilespmem:$0x19000] =	vst v63  }
0x94: {  	_ =	swait.ge @!p0 [sflag:s25], $0x400  }
.Ltmp1:
0x95: {  	[sflag:s25] =	ssyncset.done @!p0 $0x0;
	(pc) =	sbr.rel @p1 .LBB2_1-.Ltmp1, $4  }
0x96: {  	[sflag:s25] =	ssyncadd.s32 @!p0 $0xFFFFFC00  }
0x97: {  	[hbm4b:s28+s26] =	stream.linear.scatter @!p0 [tilespmem:s26], [sflag:$0x5], $0x400, $0x38;
	[tilespmem:$0x19000] =	vst v63  }
0x98: {  	_ =	swait.ge @!p0 [sflag:s25], $0x400  }
0x99: {  	[sflag:s25] =	ssyncset.done @!p0 $0x0  }
.LBB2_2:
0x9a: {  	[sflag:s25] =	ssyncadd.s32 @!p0 $0xFFFFFC00  }
0x9b: {  	_ =	sfence.sel $0x180000  }
0x9c: {  	[bflag:$0x0] =	sbarrier.arrive $0xFFFF  }
0x9d: {  	p0 =	sne.s32 s0, $0x0;
	_ =	strace $0x90000047  }
0x9e: {  	s0 =	sadd.s32 @!p0 $0x100000, s1;
	[bflag:$0x2] =	sbarrier.arrive $0xFFFF  }
0x9f: {  	[sflag:s0] =	ssyncadd.tile.s32 @!p0 $0x1;
	_ =	shalt  }
.Lfunc_end2:
_tile_overlayer_lowered:
.L_overlay_start_2:
0xa0: {  	(tag) =	ssettag $0x2  }
0xa1: {  	s0 =	rddreg [dreg:$0x0];
	s2 =	stileid.u32  }
0xa2: {  	s1 =	rddreg [dreg:$0x1];
	p0 =	sne.s32 s2, $0x0  }
0xa3: {  	s3 =	rddreg [dreg:$0x2];
	[bflag:$0x3] =	sbarrier.arrive $0xFFFF;
	s2 =	simm.s32 @!p0 $0x1C05  }
0xa4: {  	[timem:s3], [sflag:s2] =	dma.local @!p0 [hbm:s0], s1  }
0xa5: {  	s0 =	simm.s32 @!p0 $0x5  }
0xa6: {  	_ =	swait.ge @!p0 [sflag:s0], s1  }
0xa7: {  	s1 =	ssub.s32 @!p0 $0x0, s1;
	[sflag:s0] =	ssyncset.done @!p0 $0x0  }
0xa8: {  	[sflag:s0] =	ssyncadd.s32 @!p0 s1  }
0xa9: {  	[bflag:$0x3] =	sbarrier.arrive $0xFFFF  }
0xaa: {  	_ =	shalt  }

</sc_bundles>
